<compile_context>
chip_gen: v7x
topology: tpu7x:2x2x1
jax: 0.10.2.dev20260603
libtpu: 0.0.44.dev20260713+nightly
codegen_flags: <defaults>
</compile_context>

<pallas_src>
import jax
import jax.numpy as jnp
from jax.experimental import pallas as pl
from jax.experimental.pallas import tpu as pltpu
from jax.experimental.pallas import tpu_sc as plsc

NUM_EXPERTS = 8
TOP_K = 2
TILE = 4096
LANES = 16
BLK = 128


def _probs_kernel(x_ref, w_ref, p_ref):
    x = x_ref[...]
    w = w_ref[...]
    logits = jax.lax.dot_general(
        w, x, (((1,), (1,)), ((), ())),
        preferred_element_type=jnp.float32)
    m = jnp.max(logits, axis=0, keepdims=True)
    e = jnp.exp(logits - m)
    p_ref[...] = e / jnp.sum(e, axis=0, keepdims=True)


def _tc_probs(hidden_states, W):
    n, d = hidden_states.shape
    return pl.pallas_call(
        _probs_kernel,
        grid=(n // TILE,),
        in_specs=[
            pl.BlockSpec((TILE, d), lambda i: (i, 0)),
            pl.BlockSpec((NUM_EXPERTS, d), lambda i: (0, 0)),
        ],
        out_specs=pl.BlockSpec((NUM_EXPERTS, TILE), lambda i: (0, i)),
        out_shape=jax.ShapeDtypeStruct((NUM_EXPERTS, n), jnp.float32),
        compiler_params=pltpu.CompilerParams(
            dimension_semantics=("parallel",),
        ),
    )(hidden_states, W)


def _sc_top2(probs_t):
    n = probs_t.shape[1]
    vector_mesh = plsc.VectorSubcoreMesh(
        core_axis_name="core", subcore_axis_name="subcore")

    @pl.kernel(
        out_type=[
            jax.ShapeDtypeStruct((TOP_K, n), jnp.float32),
            jax.ShapeDtypeStruct((TOP_K, n), jnp.int32),
        ],
        mesh=vector_mesh,
        scratch_types=[],
    )
    def sc_kernel(x_hbm_ref, p_hbm_ref, i_hbm_ref):
        def body(in_vmem, p_vmem, i_vmem):
            @pl.loop(0, BLK, step=LANES)
            def _(c1):
                slc = pl.ds(c1, LANES)
                rows = [in_vmem.at[e, slc][...] for e in range(NUM_EXPERTS)]
                v1 = rows[0]
                i1 = jnp.zeros((LANES,), jnp.int32)
                for e in range(1, NUM_EXPERTS):
                    m = rows[e] > v1
                    i1 = jnp.where(m, e, i1)
                    v1 = jnp.where(m, rows[e], v1)
                v2 = jnp.full((LANES,), -1.0, jnp.float32)
                i2 = jnp.zeros((LANES,), jnp.int32)
                for e in range(NUM_EXPERTS):
                    m = (rows[e] > v2) & (i1 != e)
                    i2 = jnp.where(m, e, i2)
                    v2 = jnp.where(m, rows[e], v2)
                p_vmem.at[0, slc][...] = v1
                p_vmem.at[1, slc][...] = v2
                i_vmem.at[0, slc][...] = i1
                i_vmem.at[1, slc][...] = i2

        pltpu.emit_pipeline(
            body,
            grid=(n // BLK,),
            in_specs=[pl.BlockSpec((NUM_EXPERTS, BLK), lambda i: (0, i))],
            out_specs=[
                pl.BlockSpec((TOP_K, BLK), lambda i: (0, i)),
                pl.BlockSpec((TOP_K, BLK), lambda i: (0, i)),
            ],
            core_axis_name=("core", "subcore"),
            dimension_semantics=(pltpu.PARALLEL,),
        )(x_hbm_ref, p_hbm_ref, i_hbm_ref)

    return sc_kernel(probs_t)


def kernel(hidden_states, W):
    probs_t = _tc_probs(hidden_states, W)
    p_t, i_t = _sc_top2(probs_t)
    return (p_t.T, i_t.T)

# --- scband reference (transcript-rebuilt; emitter-appended) ---
"""Pipeline reference for scband-router-56298431316474 (READ-ONLY COPY).

The authoritative reference and input builder live on the scoring server;
editing this copy changes nothing except your own understanding.
"""

import jax, jax.numpy as jnp
import numpy as np

HIDDEN_DIM = 768
NUM_EXPERTS = 8
TOP_K = 2
NUM_TOKENS = 32768


def setup_inputs(seed: int = 0) -> dict:
    key = jax.random.key(seed)
    k1, k2 = jax.random.split(key)
    hidden_states = jax.random.normal(k1, (NUM_TOKENS, HIDDEN_DIM), dtype=jnp.float32)
    # router weight, initialized like torch: normal(mean=0, std=0.01/sqrt(hidden_dim)), shape [num_experts, hidden_dim]
    W = jax.random.normal(k2, (NUM_EXPERTS, HIDDEN_DIM), dtype=jnp.float32) * (0.01 / np.sqrt(HIDDEN_DIM))
    return {"hidden_states": hidden_states, "W": W}


def reference(hidden_states, W):
    # router_logits = Linear(hidden_dim, num_experts, bias=False)(hidden_states)
    router_logits = hidden_states @ W.T
    probs = jax.nn.softmax(router_logits, axis=-1)
    top_probs, top_indices = jax.lax.top_k(probs, TOP_K)
    return (top_probs, top_indices)

if __name__ == "__main__":
    import jax
    _d = setup_inputs()
    print(jax.jit(kernel)(*tuple(_d.values())))

</pallas_src>

<mosaic_0001>
#map = affine_map<(d0, d1) -> (0, 0)>
module attributes {stable_mosaic.version = 14 : i64} {
  func.func @sc_kernel(%arg0: i32, %arg1: i32, %arg2: memref<8x32768xf32, #tpu.memory_space<hbm>>, %arg3: memref<2x32768xf32, #tpu.memory_space<hbm>>, %arg4: memref<2x32768xi32, #tpu.memory_space<hbm>>) attributes {dimension_semantics = [#tpu.dimension_semantics<core_parallel>, #tpu.dimension_semantics<subcore_parallel>], iteration_bounds = array<i64: 2, 16>, scalar_prefetch = 0 : i64, scratch_operands = 0 : i64, tpu.core_type = #tpu.core_type<sc_vector_subcore>, window_params = [{transform_indices = #map}, {transform_indices = #map}, {transform_indices = #map}]} {
    %mul3A = arith.constant 1 : i32
    %mul3A_0 = arith.muli %arg1, %mul3A : i32
    %add3A = arith.constant 0 : i32
    %add3A_1 = arith.addi %add3A, %mul3A_0 : i32
    %mul3A_2 = arith.constant 16 : i32
    %mul3A_3 = arith.muli %arg0, %mul3A_2 : i32
    %add3A_4 = arith.addi %add3A_1, %mul3A_3 : i32
    %mul3A_5 = arith.constant 8 : i32
    %mul3A_6 = arith.muli %add3A_4, %mul3A_5 : i32
    "tpu.region"() ({
      %run_scoped3A = memref.alloca() : memref<2x8x128xf32, #tpu.memory_space<vmem>>
      %run_scoped3A_7 = tpu.sem_alloc : memref<2x!tpu.dma_semaphore, #tpu.memory_space<semaphore_mem>>
      %run_scoped3A_8 = memref.alloca() : memref<2x2x128xf32, #tpu.memory_space<vmem>>
      %run_scoped3A_9 = tpu.sem_alloc : memref<2x!tpu.dma_semaphore, #tpu.memory_space<semaphore_mem>>
      %run_scoped3A_10 = memref.alloca() : memref<2x2x128xi32, #tpu.memory_space<vmem>>
      %run_scoped3A_11 = tpu.sem_alloc : memref<2x!tpu.dma_semaphore, #tpu.memory_space<semaphore_mem>>
      %add3A_12 = arith.constant 0 : i32
      %add3A_13 = arith.addi %add3A_12, %mul3A_6 : i32
      %select_n3A = arith.constant true
      %select_n3A_14 = arith.constant 0 : i32
      %select_n3A_15 = arith.constant -1 : i32
      %select_n3A_16 = arith.select %select_n3A, %select_n3A_15, %select_n3A_14 : i32
      %eq3A = arith.constant -1 : i32
      %eq3A_17 = arith.cmpi eq, %select_n3A_16, %eq3A : i32
      %select_n3A_18 = arith.constant 7 : i32
      %select_n3A_19 = arith.select %eq3A_17, %select_n3A_18, %select_n3A_16 : i32
      %add3A_20 = arith.addi %select_n3A_19, %mul3A_6 : i32
      %select_n3A_21 = arith.constant true
      %select_n3A_22 = arith.constant 0 : i32
      %select_n3A_23 = arith.constant 1 : i32
      %select_n3A_24 = arith.select %select_n3A_21, %select_n3A_23, %select_n3A_22 : i32
      %eq3A_25 = arith.constant 8 : i32
      %eq3A_26 = arith.cmpi eq, %select_n3A_24, %eq3A_25 : i32
      %select_n3A_27 = arith.constant 0 : i32
      %select_n3A_28 = arith.select %eq3A_26, %select_n3A_27, %select_n3A_24 : i32
      %add3A_29 = arith.addi %select_n3A_28, %mul3A_6 : i32
      %add3A_30 = arith.constant 1 : i32
      %add3A_31 = arith.addi %select_n3A_28, %add3A_30 : i32
      %select_n3A_32 = arith.constant true
      %select_n3A_33 = arith.select %select_n3A_32, %add3A_31, %select_n3A_28 : i32
      %eq3A_34 = arith.constant 8 : i32
      %eq3A_35 = arith.cmpi eq, %select_n3A_33, %eq3A_34 : i32
      %select_n3A_36 = arith.constant 0 : i32
      %select_n3A_37 = arith.select %eq3A_35, %select_n3A_36, %select_n3A_33 : i32
      %add3A_38 = arith.addi %select_n3A_37, %mul3A_6 : i32
      "tpu.trace_start"() <{level = 10 : i32, message = "ep_initialize_0"}> : () -> ()
      %rem3A = arith.constant 0 : i32
      %rem3A_39 = arith.constant 2 : i32
      %rem3A_40 = arith.remui %rem3A, %rem3A_39 : i32
      %mul3A_41 = arith.constant 128 : i32
      %mul3A_42 = arith.muli %mul3A_41, %add3A_13 : i32
      %dma_start3A = arith.constant 0 : i32
      %dma_start3A_43 = arith.constant 0 : i32
      %dma_start3A_44 = tpu.memref_slice %run_scoped3A[%rem3A_40, %dma_start3A, %dma_start3A_43] : memref<2x8x128xf32, #tpu.memory_space<vmem>> -> memref<1x8x128xf32, #tpu.memory_space<vmem>>
      %dma_start3A_45 = tpu.memref_squeeze %dma_start3A_44 : memref<1x8x128xf32, #tpu.memory_space<vmem>> -> memref<8x128xf32, #tpu.memory_space<vmem>>
      %dma_start3A_46 = arith.constant 0 : i32
      %dma_start3A_47 = tpu.memref_slice %arg2[%dma_start3A_46, %mul3A_42] : memref<8x32768xf32, #tpu.memory_space<hbm>> -> memref<8x128xf32, #tpu.memory_space<hbm>>
      %dma_start3A_48 = tpu.memref_slice %run_scoped3A_7[%rem3A_40] : memref<2x!tpu.dma_semaphore, #tpu.memory_space<semaphore_mem>> -> memref<1x!tpu.dma_semaphore, #tpu.memory_space<semaphore_mem>>
      %dma_start3A_49 = tpu.memref_squeeze %dma_start3A_48 : memref<1x!tpu.dma_semaphore, #tpu.memory_space<semaphore_mem>> -> memref<!tpu.dma_semaphore, #tpu.memory_space<semaphore_mem>>
      %dma_start3A_50 = arith.constant 0 : i32
      %dma_start3A_51 = arith.constant 0 : i32
      %dma_start3A_52 = tpu.memref_slice %run_scoped3A[%rem3A_40, %dma_start3A_50, %dma_start3A_51] : memref<2x8x128xf32, #tpu.memory_space<vmem>> -> memref<1x8x128xf32, #tpu.memory_space<vmem>>
      %dma_start3A_53 = tpu.memref_squeeze %dma_start3A_52 : memref<1x8x128xf32, #tpu.memory_space<vmem>> -> memref<8x128xf32, #tpu.memory_space<vmem>>
      %dma_start3A_54 = arith.constant 0 : i32
      %dma_start3A_55 = tpu.memref_slice %arg2[%dma_start3A_54, %mul3A_42] : memref<8x32768xf32, #tpu.memory_space<hbm>> -> memref<8x128xf32, #tpu.memory_space<hbm>>
      tpu.enqueue_dma source(%dma_start3A_55 : memref<8x128xf32, #tpu.memory_space<hbm>>) target(%dma_start3A_53 : memref<8x128xf32, #tpu.memory_space<vmem>>) target_semaphore(%dma_start3A_49 : memref<!tpu.dma_semaphore, #tpu.memory_space<semaphore_mem>>)
      %add3A_56 = arith.constant 0 : i32
      %add3A_57 = arith.constant 1 : i32
      %add3A_58 = arith.addi %add3A_56, %add3A_57 : i32
      %select_n3A_59 = arith.constant true
      %select_n3A_60 = arith.constant 0 : i32
      %select_n3A_61 = arith.select %select_n3A_59, %add3A_58, %select_n3A_60 : i32
      "tpu.trace_stop"() : () -> ()
      %scan3A = arith.constant 0 : i32
      %scan3A_62 = arith.constant 0 : i32
      %scan3A_63 = arith.constant 0 : i32
      %scan3A_64 = arith.constant 0 : i32
      %scan3A_65 = arith.constant 0 : i32
      %scan3A_66 = arith.constant 0 : i32
      %scan3A_67 = arith.constant 0 : i32
      %scan3A_68 = arith.constant 8 : i32
      %scan3A_69 = arith.addi %scan3A_67, %scan3A_68 : i32
      %scan3A_70 = arith.constant 1 : i32
      %scan3A_71:7 = scf.for %scan3A_143 = %scan3A_67 to %scan3A_69 step %scan3A_70 iter_args(%scan3A_144 = %select_n3A_61, %scan3A_145 = %scan3A, %scan3A_146 = %scan3A_62, %scan3A_147 = %scan3A_63, %scan3A_148 = %scan3A_64, %scan3A_149 = %scan3A_65, %scan3A_150 = %scan3A_66) -> (i32, i32, i32, i32, i32, i32, i32)  : i32 {
        %eq3A_151 = arith.constant 0 : i32
        %eq3A_152 = arith.cmpi eq, %scan3A_143, %eq3A_151 : i32
        %eq3A_153 = arith.constant 7 : i32
        %eq3A_154 = arith.cmpi eq, %scan3A_143, %eq3A_153 : i32
        %add3A_155 = arith.addi %scan3A_150, %mul3A_6 : i32
        %sub3A_156 = arith.constant 1 : i32
        %sub3A_157 = arith.subi %scan3A_150, %sub3A_156 : i32
        %select_n3A_158 = arith.constant true
        %select_n3A_159 = arith.select %select_n3A_158, %sub3A_157, %scan3A_150 : i32
        %eq3A_160 = arith.constant -1 : i32
        %eq3A_161 = arith.cmpi eq, %select_n3A_159, %eq3A_160 : i32
        %select_n3A_162 = arith.constant 7 : i32
        %select_n3A_163 = arith.select %eq3A_161, %select_n3A_162, %select_n3A_159 : i32
        %add3A_164 = arith.addi %select_n3A_163, %mul3A_6 : i32
        %add3A_165 = arith.constant 1 : i32
        %add3A_166 = arith.addi %scan3A_150, %add3A_165 : i32
        %select_n3A_167 = arith.constant true
        %select_n3A_168 = arith.select %select_n3A_167, %add3A_166, %scan3A_150 : i32
        %eq3A_169 = arith.constant 8 : i32
        %eq3A_170 = arith.cmpi eq, %select_n3A_168, %eq3A_169 : i32
        %select_n3A_171 = arith.constant 0 : i32
        %select_n3A_172 = arith.select %eq3A_170, %select_n3A_171, %select_n3A_168 : i32
        %add3A_173 = arith.addi %select_n3A_172, %mul3A_6 : i32
        %add3A_174 = arith.constant 1 : i32
        %add3A_175 = arith.addi %select_n3A_172, %add3A_174 : i32
        %select_n3A_176 = arith.constant true
        %select_n3A_177 = arith.select %select_n3A_176, %add3A_175, %select_n3A_172 : i32
        %eq3A_178 = arith.constant 8 : i32
        %eq3A_179 = arith.cmpi eq, %select_n3A_177, %eq3A_178 : i32
        %select_n3A_180 = arith.constant 0 : i32
        %select_n3A_181 = arith.select %eq3A_179, %select_n3A_180, %select_n3A_177 : i32
        %add3A_182 = arith.addi %select_n3A_181, %mul3A_6 : i32
        %ne3A = arith.cmpi ne, %add3A_155, %add3A_173 : i32
        %or3A = arith.constant false
        %or3A_183 = arith.ori %or3A, %ne3A : i1
        %ge3A = arith.constant 7 : i32
        %ge3A_184 = arith.cmpi sge, %scan3A_143, %ge3A : i32
        %not3A = arith.constant true
        %not3A_185 = arith.xori %ge3A_184, %not3A : i1
        %and3A = arith.andi %or3A_183, %not3A_185 : i1
        %convert_element_type3A = arith.extui %and3A : i1 to i32
        %cond3A = arith.constant 0 : i32
        %cond3A_186 = arith.cmpi ne, %convert_element_type3A, %cond3A : i32
        scf.if %cond3A_186 {
          "tpu.trace_start"() <{level = 10 : i32, message = "ep_copy_in"}> : () -> ()
          %rem3A_327 = arith.constant 2 : i32
          %rem3A_328 = arith.remui %scan3A_144, %rem3A_327 : i32
          %mul3A_329 = arith.constant 128 : i32
          %mul3A_330 = arith.muli %mul3A_329, %add3A_173 : i32
          %dma_start3A_331 = arith.constant 0 : i32
          %dma_start3A_332 = arith.constant 0 : i32
          %dma_start3A_333 = tpu.memref_slice %run_scoped3A[%rem3A_328, %dma_start3A_331, %dma_start3A_332] : memref<2x8x128xf32, #tpu.memory_space<vmem>> -> memref<1x8x128xf32, #tpu.memory_space<vmem>>
          %dma_start3A_334 = tpu.memref_squeeze %dma_start3A_333 : memref<1x8x128xf32, #tpu.memory_space<vmem>> -> memref<8x128xf32, #tpu.memory_space<vmem>>
          %dma_start3A_335 = arith.constant 0 : i32
          %dma_start3A_336 = tpu.memref_slice %arg2[%dma_start3A_335, %mul3A_330] : memref<8x32768xf32, #tpu.memory_space<hbm>> -> memref<8x128xf32, #tpu.memory_space<hbm>>
          %dma_start3A_337 = tpu.memref_slice %run_scoped3A_7[%rem3A_328] : memref<2x!tpu.dma_semaphore, #tpu.memory_space<semaphore_mem>> -> memref<1x!tpu.dma_semaphore, #tpu.memory_space<semaphore_mem>>
          %dma_start3A_338 = tpu.memref_squeeze %dma_start3A_337 : memref<1x!tpu.dma_semaphore, #tpu.memory_space<semaphore_mem>> -> memref<!tpu.dma_semaphore, #tpu.memory_space<semaphore_mem>>
          %dma_start3A_339 = arith.constant 0 : i32
          %dma_start3A_340 = arith.constant 0 : i32
          %dma_start3A_341 = tpu.memref_slice %run_scoped3A[%rem3A_328, %dma_start3A_339, %dma_start3A_340] : memref<2x8x128xf32, #tpu.memory_space<vmem>> -> memref<1x8x128xf32, #tpu.memory_space<vmem>>
          %dma_start3A_342 = tpu.memref_squeeze %dma_start3A_341 : memref<1x8x128xf32, #tpu.memory_space<vmem>> -> memref<8x128xf32, #tpu.memory_space<vmem>>
          %dma_start3A_343 = arith.constant 0 : i32
          %dma_start3A_344 = tpu.memref_slice %arg2[%dma_start3A_343, %mul3A_330] : memref<8x32768xf32, #tpu.memory_space<hbm>> -> memref<8x128xf32, #tpu.memory_space<hbm>>
          tpu.enqueue_dma source(%dma_start3A_344 : memref<8x128xf32, #tpu.memory_space<hbm>>) target(%dma_start3A_342 : memref<8x128xf32, #tpu.memory_space<vmem>>) target_semaphore(%dma_start3A_338 : memref<!tpu.dma_semaphore, #tpu.memory_space<semaphore_mem>>)
          "tpu.trace_stop"() : () -> ()
        } else {
        }
        %and3A_187 = arith.constant true
        %and3A_188 = arith.andi %and3A, %and3A_187 : i1
        %add3A_189 = arith.constant 1 : i32
        %add3A_190 = arith.addi %scan3A_144, %add3A_189 : i32
        %select_n3A_191 = arith.select %and3A_188, %add3A_190, %scan3A_144 : i32
        %ne3A_192 = arith.cmpi ne, %add3A_155, %add3A_173 : i32
        %or3A_193 = arith.constant false
        %or3A_194 = arith.ori %or3A_193, %ne3A_192 : i1
        %ge3A_195 = arith.constant 7 : i32
        %ge3A_196 = arith.cmpi sge, %scan3A_143, %ge3A_195 : i32
        %not3A_197 = arith.constant true
        %not3A_198 = arith.xori %ge3A_196, %not3A_197 : i1
        %and3A_199 = arith.andi %or3A_194, %not3A_198 : i1
        %ne3A_200 = arith.cmpi ne, %add3A_155, %add3A_173 : i32
        %or3A_201 = arith.constant false
        %or3A_202 = arith.ori %or3A_201, %ne3A_200 : i1
        %ge3A_203 = arith.constant 7 : i32
        %ge3A_204 = arith.cmpi sge, %scan3A_143, %ge3A_203 : i32
        %not3A_205 = arith.constant true
        %not3A_206 = arith.xori %ge3A_204, %not3A_205 : i1
        %and3A_207 = arith.andi %or3A_202, %not3A_206 : i1
        %ne3A_208 = arith.cmpi ne, %add3A_155, %add3A_164 : i32
        %or3A_209 = arith.constant false
        %or3A_210 = arith.ori %or3A_209, %ne3A_208 : i1
        %or3A_211 = arith.ori %or3A_210, %eq3A_152 : i1
        %convert_element_type3A_212 = arith.extui %or3A_211 : i1 to i32
        %cond3A_213 = arith.constant 0 : i32
        %cond3A_214 = arith.cmpi ne, %convert_element_type3A_212, %cond3A_213 : i32
        scf.if %cond3A_214 {
          "tpu.trace_start"() <{level = 10 : i32, message = "ep_wait_in"}> : () -> ()
          %mul3A_327 = arith.constant 128 : i32
          %mul3A_328 = arith.muli %mul3A_327, %add3A_155 : i32
          %rem3A_329 = arith.constant 2 : i32
          %rem3A_330 = arith.remui %scan3A_145, %rem3A_329 : i32
          %dma_wait3A_331 = arith.constant 0 : i32
          %dma_wait3A_332 = arith.constant 0 : i32
          %dma_wait3A_333 = tpu.memref_slice %run_scoped3A[%rem3A_330, %dma_wait3A_331, %dma_wait3A_332] : memref<2x8x128xf32, #tpu.memory_space<vmem>> -> memref<1x8x128xf32, #tpu.memory_space<vmem>>
          %dma_wait3A_334 = tpu.memref_squeeze %dma_wait3A_333 : memref<1x8x128xf32, #tpu.memory_space<vmem>> -> memref<8x128xf32, #tpu.memory_space<vmem>>
          %dma_wait3A_335 = arith.constant 0 : i32
          %dma_wait3A_336 = tpu.memref_slice %arg2[%dma_wait3A_335, %mul3A_328] : memref<8x32768xf32, #tpu.memory_space<hbm>> -> memref<8x128xf32, #tpu.memory_space<hbm>>
          %dma_wait3A_337 = tpu.memref_slice %run_scoped3A_7[%rem3A_330] : memref<2x!tpu.dma_semaphore, #tpu.memory_space<semaphore_mem>> -> memref<1x!tpu.dma_semaphore, #tpu.memory_space<semaphore_mem>>
          %dma_wait3A_338 = tpu.memref_squeeze %dma_wait3A_337 : memref<1x!tpu.dma_semaphore, #tpu.memory_space<semaphore_mem>> -> memref<!tpu.dma_semaphore, #tpu.memory_space<semaphore_mem>>
          %dma_wait3A_339 = arith.constant 0 : i32
          %dma_wait3A_340 = arith.constant 0 : i32
          %dma_wait3A_341 = tpu.memref_slice %run_scoped3A[%rem3A_330, %dma_wait3A_339, %dma_wait3A_340] : memref<2x8x128xf32, #tpu.memory_space<vmem>> -> memref<1x8x128xf32, #tpu.memory_space<vmem>>
          %dma_wait3A_342 = tpu.memref_squeeze %dma_wait3A_341 : memref<1x8x128xf32, #tpu.memory_space<vmem>> -> memref<8x128xf32, #tpu.memory_space<vmem>>
          %dma_wait3A_343 = arith.constant 0 : i32
          %dma_wait3A_344 = tpu.memref_slice %arg2[%dma_wait3A_343, %mul3A_328] : memref<8x32768xf32, #tpu.memory_space<hbm>> -> memref<8x128xf32, #tpu.memory_space<hbm>>
          tpu.wait_dma2 semaphore(%dma_wait3A_338 : memref<!tpu.dma_semaphore, #tpu.memory_space<semaphore_mem>>) src(%dma_wait3A_344 : memref<8x128xf32, #tpu.memory_space<hbm>>) dst(%dma_wait3A_342 : memref<8x128xf32, #tpu.memory_space<vmem>>)
          "tpu.trace_stop"() : () -> ()
        } else {
        }
        %ne3A_215 = arith.cmpi ne, %add3A_155, %add3A_164 : i32
        %or3A_216 = arith.constant false
        %or3A_217 = arith.ori %or3A_216, %ne3A_215 : i1
        %or3A_218 = arith.ori %or3A_217, %eq3A_152 : i1
        %convert_element_type3A_219 = arith.extui %or3A_218 : i1 to i32
        %cond3A_220 = arith.constant 0 : i32
        %cond3A_221 = arith.cmpi ne, %convert_element_type3A_219, %cond3A_220 : i32
        scf.if %cond3A_221 {
        } else {
        }
        %ne3A_222 = arith.cmpi ne, %add3A_155, %add3A_164 : i32
        %or3A_223 = arith.constant false
        %or3A_224 = arith.ori %or3A_223, %ne3A_222 : i1
        %or3A_225 = arith.ori %or3A_224, %eq3A_152 : i1
        %convert_element_type3A_226 = arith.extui %or3A_225 : i1 to i32
        %cond3A_227 = arith.constant 0 : i32
        %cond3A_228 = arith.cmpi ne, %convert_element_type3A_226, %cond3A_227 : i32
        scf.if %cond3A_228 {
        } else {
        }
        %rem3A_229 = arith.constant 2 : i32
        %rem3A_230 = arith.remui %scan3A_145, %rem3A_229 : i32
        %rem3A_231 = arith.constant 2 : i32
        %rem3A_232 = arith.remui %scan3A_146, %rem3A_231 : i32
        %rem3A_233 = arith.constant 2 : i32
        %rem3A_234 = arith.remui %scan3A_148, %rem3A_233 : i32
        "tpu.trace_start"() <{level = 10 : i32, message = "ep_run_kernel"}> : () -> ()
        %scan3A_235 = arith.constant 0 : i32
        %scan3A_236 = arith.constant 8 : i32
        %scan3A_237 = arith.addi %scan3A_235, %scan3A_236 : i32
        %scan3A_238 = arith.constant 1 : i32
        scf.for %scan3A_327 = %scan3A_235 to %scan3A_237 step %scan3A_238  : i32 {
          %mul3A_328 = arith.constant 16 : i32
          %mul3A_329 = arith.muli %scan3A_327, %mul3A_328 : i32
          %add3A_330 = arith.constant 0 : i32
          %add3A_331 = arith.addi %add3A_330, %mul3A_329 : i32
          %get3A = arith.constant 0 : i32
          %get3A_332 = arith.constant 0 : i32
          %get3A_333 = arith.constant 0 : i32
          %get3A_334 = tpu.memref_slice %run_scoped3A[%rem3A_230, %get3A_332, %get3A_333] : memref<2x8x128xf32, #tpu.memory_space<vmem>> -> memref<1x8x128xf32, #tpu.memory_space<vmem>>
          %get3A_335 = tpu.memref_squeeze %get3A_334 : memref<1x8x128xf32, #tpu.memory_space<vmem>> -> memref<8x128xf32, #tpu.memory_space<vmem>>
          %get3A_336 = arith.index_cast %get3A : i32 to index
          %get3A_337 = arith.index_cast %add3A_331 : i32 to index
          %get3A_338 = tpu.vector_load %get3A_335[%get3A_336, %get3A_337] {strides = array<i32>} : memref<8x128xf32, #tpu.memory_space<vmem>>, vector<1x16xf32>,
          %get3A_339 = vector.shape_cast %get3A_338 : vector<1x16xf32> to vector<16xf32>
          %get3A_340 = arith.constant 1 : i32
          %get3A_341 = arith.constant 0 : i32
          %get3A_342 = arith.constant 0 : i32
          %get3A_343 = tpu.memref_slice %run_scoped3A[%rem3A_230, %get3A_341, %get3A_342] : memref<2x8x128xf32, #tpu.memory_space<vmem>> -> memref<1x8x128xf32, #tpu.memory_space<vmem>>
          %get3A_344 = tpu.memref_squeeze %get3A_343 : memref<1x8x128xf32, #tpu.memory_space<vmem>> -> memref<8x128xf32, #tpu.memory_space<vmem>>
          %get3A_345 = arith.index_cast %get3A_340 : i32 to index
          %get3A_346 = arith.index_cast %add3A_331 : i32 to index
          %get3A_347 = tpu.vector_load %get3A_344[%get3A_345, %get3A_346] {strides = array<i32>} : memref<8x128xf32, #tpu.memory_space<vmem>>, vector<1x16xf32>,
          %get3A_348 = vector.shape_cast %get3A_347 : vector<1x16xf32> to vector<16xf32>
          %get3A_349 = arith.constant 2 : i32
          %get3A_350 = arith.constant 0 : i32
          %get3A_351 = arith.constant 0 : i32
          %get3A_352 = tpu.memref_slice %run_scoped3A[%rem3A_230, %get3A_350, %get3A_351] : memref<2x8x128xf32, #tpu.memory_space<vmem>> -> memref<1x8x128xf32, #tpu.memory_space<vmem>>
          %get3A_353 = tpu.memref_squeeze %get3A_352 : memref<1x8x128xf32, #tpu.memory_space<vmem>> -> memref<8x128xf32, #tpu.memory_space<vmem>>
          %get3A_354 = arith.index_cast %get3A_349 : i32 to index
          %get3A_355 = arith.index_cast %add3A_331 : i32 to index
          %get3A_356 = tpu.vector_load %get3A_353[%get3A_354, %get3A_355] {strides = array<i32>} : memref<8x128xf32, #tpu.memory_space<vmem>>, vector<1x16xf32>,
          %get3A_357 = vector.shape_cast %get3A_356 : vector<1x16xf32> to vector<16xf32>
          %get3A_358 = arith.constant 3 : i32
          %get3A_359 = arith.constant 0 : i32
          %get3A_360 = arith.constant 0 : i32
          %get3A_361 = tpu.memref_slice %run_scoped3A[%rem3A_230, %get3A_359, %get3A_360] : memref<2x8x128xf32, #tpu.memory_space<vmem>> -> memref<1x8x128xf32, #tpu.memory_space<vmem>>
          %get3A_362 = tpu.memref_squeeze %get3A_361 : memref<1x8x128xf32, #tpu.memory_space<vmem>> -> memref<8x128xf32, #tpu.memory_space<vmem>>
          %get3A_363 = arith.index_cast %get3A_358 : i32 to index
          %get3A_364 = arith.index_cast %add3A_331 : i32 to index
          %get3A_365 = tpu.vector_load %get3A_362[%get3A_363, %get3A_364] {strides = array<i32>} : memref<8x128xf32, #tpu.memory_space<vmem>>, vector<1x16xf32>,
          %get3A_366 = vector.shape_cast %get3A_365 : vector<1x16xf32> to vector<16xf32>
          %get3A_367 = arith.constant 4 : i32
          %get3A_368 = arith.constant 0 : i32
          %get3A_369 = arith.constant 0 : i32
          %get3A_370 = tpu.memref_slice %run_scoped3A[%rem3A_230, %get3A_368, %get3A_369] : memref<2x8x128xf32, #tpu.memory_space<vmem>> -> memref<1x8x128xf32, #tpu.memory_space<vmem>>
          %get3A_371 = tpu.memref_squeeze %get3A_370 : memref<1x8x128xf32, #tpu.memory_space<vmem>> -> memref<8x128xf32, #tpu.memory_space<vmem>>
          %get3A_372 = arith.index_cast %get3A_367 : i32 to index
          %get3A_373 = arith.index_cast %add3A_331 : i32 to index
          %get3A_374 = tpu.vector_load %get3A_371[%get3A_372, %get3A_373] {strides = array<i32>} : memref<8x128xf32, #tpu.memory_space<vmem>>, vector<1x16xf32>,
          %get3A_375 = vector.shape_cast %get3A_374 : vector<1x16xf32> to vector<16xf32>
          %get3A_376 = arith.constant 5 : i32
          %get3A_377 = arith.constant 0 : i32
          %get3A_378 = arith.constant 0 : i32
          %get3A_379 = tpu.memref_slice %run_scoped3A[%rem3A_230, %get3A_377, %get3A_378] : memref<2x8x128xf32, #tpu.memory_space<vmem>> -> memref<1x8x128xf32, #tpu.memory_space<vmem>>
          %get3A_380 = tpu.memref_squeeze %get3A_379 : memref<1x8x128xf32, #tpu.memory_space<vmem>> -> memref<8x128xf32, #tpu.memory_space<vmem>>
          %get3A_381 = arith.index_cast %get3A_376 : i32 to index
          %get3A_382 = arith.index_cast %add3A_331 : i32 to index
          %get3A_383 = tpu.vector_load %get3A_380[%get3A_381, %get3A_382] {strides = array<i32>} : memref<8x128xf32, #tpu.memory_space<vmem>>, vector<1x16xf32>,
          %get3A_384 = vector.shape_cast %get3A_383 : vector<1x16xf32> to vector<16xf32>
          %get3A_385 = arith.constant 6 : i32
          %get3A_386 = arith.constant 0 : i32
          %get3A_387 = arith.constant 0 : i32
          %get3A_388 = tpu.memref_slice %run_scoped3A[%rem3A_230, %get3A_386, %get3A_387] : memref<2x8x128xf32, #tpu.memory_space<vmem>> -> memref<1x8x128xf32, #tpu.memory_space<vmem>>
          %get3A_389 = tpu.memref_squeeze %get3A_388 : memref<1x8x128xf32, #tpu.memory_space<vmem>> -> memref<8x128xf32, #tpu.memory_space<vmem>>
          %get3A_390 = arith.index_cast %get3A_385 : i32 to index
          %get3A_391 = arith.index_cast %add3A_331 : i32 to index
          %get3A_392 = tpu.vector_load %get3A_389[%get3A_390, %get3A_391] {strides = array<i32>} : memref<8x128xf32, #tpu.memory_space<vmem>>, vector<1x16xf32>,
          %get3A_393 = vector.shape_cast %get3A_392 : vector<1x16xf32> to vector<16xf32>
          %get3A_394 = arith.constant 7 : i32
          %get3A_395 = arith.constant 0 : i32
          %get3A_396 = arith.constant 0 : i32
          %get3A_397 = tpu.memref_slice %run_scoped3A[%rem3A_230, %get3A_395, %get3A_396] : memref<2x8x128xf32, #tpu.memory_space<vmem>> -> memref<1x8x128xf32, #tpu.memory_space<vmem>>
          %get3A_398 = tpu.memref_squeeze %get3A_397 : memref<1x8x128xf32, #tpu.memory_space<vmem>> -> memref<8x128xf32, #tpu.memory_space<vmem>>
          %get3A_399 = arith.index_cast %get3A_394 : i32 to index
          %get3A_400 = arith.index_cast %add3A_331 : i32 to index
          %get3A_401 = tpu.vector_load %get3A_398[%get3A_399, %get3A_400] {strides = array<i32>} : memref<8x128xf32, #tpu.memory_space<vmem>>, vector<1x16xf32>,
          %get3A_402 = vector.shape_cast %get3A_401 : vector<1x16xf32> to vector<16xf32>
          %broadcast_in_dim3A = arith.constant 0 : i32
          %broadcast_in_dim3A_403 = vector.broadcast %broadcast_in_dim3A : i32 to vector<16xi32>
          %gt3A = arith.cmpf ogt, %get3A_348, %get3A_339 : vector<16xf32>
          %jit3A = arith.constant 1 : i32
          %broadcast_in_dim3A_404 = vector.broadcast %jit3A : i32 to vector<16xi32>
          %select_n3A_405 = arith.select %gt3A, %broadcast_in_dim3A_404, %broadcast_in_dim3A_403 : vector<16xi1>, vector<16xi32>
          %select_n3A_406 = arith.select %gt3A, %get3A_348, %get3A_339 : vector<16xi1>, vector<16xf32>
          %gt3A_407 = arith.cmpf ogt, %get3A_357, %select_n3A_406 : vector<16xf32>
          %jit3A_408 = arith.constant 2 : i32
          %broadcast_in_dim3A_409 = vector.broadcast %jit3A_408 : i32 to vector<16xi32>
          %select_n3A_410 = arith.select %gt3A_407, %broadcast_in_dim3A_409, %select_n3A_405 : vector<16xi1>, vector<16xi32>
          %select_n3A_411 = arith.select %gt3A_407, %get3A_357, %select_n3A_406 : vector<16xi1>, vector<16xf32>
          %gt3A_412 = arith.cmpf ogt, %get3A_366, %select_n3A_411 : vector<16xf32>
          %jit3A_413 = arith.constant 3 : i32
          %broadcast_in_dim3A_414 = vector.broadcast %jit3A_413 : i32 to vector<16xi32>
          %select_n3A_415 = arith.select %gt3A_412, %broadcast_in_dim3A_414, %select_n3A_410 : vector<16xi1>, vector<16xi32>
          %select_n3A_416 = arith.select %gt3A_412, %get3A_366, %select_n3A_411 : vector<16xi1>, vector<16xf32>
          %gt3A_417 = arith.cmpf ogt, %get3A_375, %select_n3A_416 : vector<16xf32>
          %jit3A_418 = arith.constant 4 : i32
          %broadcast_in_dim3A_419 = vector.broadcast %jit3A_418 : i32 to vector<16xi32>
          %select_n3A_420 = arith.select %gt3A_417, %broadcast_in_dim3A_419, %select_n3A_415 : vector<16xi1>, vector<16xi32>
          %select_n3A_421 = arith.select %gt3A_417, %get3A_375, %select_n3A_416 : vector<16xi1>, vector<16xf32>
          %gt3A_422 = arith.cmpf ogt, %get3A_384, %select_n3A_421 : vector<16xf32>
          %jit3A_423 = arith.constant 5 : i32
          %broadcast_in_dim3A_424 = vector.broadcast %jit3A_423 : i32 to vector<16xi32>
          %select_n3A_425 = arith.select %gt3A_422, %broadcast_in_dim3A_424, %select_n3A_420 : vector<16xi1>, vector<16xi32>
          %select_n3A_426 = arith.select %gt3A_422, %get3A_384, %select_n3A_421 : vector<16xi1>, vector<16xf32>
          %gt3A_427 = arith.cmpf ogt, %get3A_393, %select_n3A_426 : vector<16xf32>
          %jit3A_428 = arith.constant 6 : i32
          %broadcast_in_dim3A_429 = vector.broadcast %jit3A_428 : i32 to vector<16xi32>
          %select_n3A_430 = arith.select %gt3A_427, %broadcast_in_dim3A_429, %select_n3A_425 : vector<16xi1>, vector<16xi32>
          %select_n3A_431 = arith.select %gt3A_427, %get3A_393, %select_n3A_426 : vector<16xi1>, vector<16xf32>
          %gt3A_432 = arith.cmpf ogt, %get3A_402, %select_n3A_431 : vector<16xf32>
          %jit3A_433 = arith.constant 7 : i32
          %broadcast_in_dim3A_434 = vector.broadcast %jit3A_433 : i32 to vector<16xi32>
          %select_n3A_435 = arith.select %gt3A_432, %broadcast_in_dim3A_434, %select_n3A_430 : vector<16xi1>, vector<16xi32>
          %select_n3A_436 = arith.select %gt3A_432, %get3A_402, %select_n3A_431 : vector<16xi1>, vector<16xf32>
          %broadcast_in_dim3A_437 = arith.constant -1.000000e+00 : f32
          %broadcast_in_dim3A_438 = vector.broadcast %broadcast_in_dim3A_437 : f32 to vector<16xf32>
          %broadcast_in_dim3A_439 = arith.constant 0 : i32
          %broadcast_in_dim3A_440 = vector.broadcast %broadcast_in_dim3A_439 : i32 to vector<16xi32>
          %gt3A_441 = arith.cmpf ogt, %get3A_339, %broadcast_in_dim3A_438 : vector<16xf32>
          %ne3A_442 = arith.constant 0 : i32
          %ne3A_443 = vector.broadcast %ne3A_442 : i32 to vector<16xi32>
          %ne3A_444 = arith.cmpi ne, %select_n3A_435, %ne3A_443 : vector<16xi32>
          %and3A_445 = arith.andi %gt3A_441, %ne3A_444 : vector<16xi1>
          %jit3A_446 = arith.constant 0 : i32
          %broadcast_in_dim3A_447 = vector.broadcast %jit3A_446 : i32 to vector<16xi32>
          %select_n3A_448 = arith.select %and3A_445, %broadcast_in_dim3A_447, %broadcast_in_dim3A_440 : vector<16xi1>, vector<16xi32>
          %select_n3A_449 = arith.select %and3A_445, %get3A_339, %broadcast_in_dim3A_438 : vector<16xi1>, vector<16xf32>
          %gt3A_450 = arith.cmpf ogt, %get3A_348, %select_n3A_449 : vector<16xf32>
          %ne3A_451 = arith.constant 1 : i32
          %ne3A_452 = vector.broadcast %ne3A_451 : i32 to vector<16xi32>
          %ne3A_453 = arith.cmpi ne, %select_n3A_435, %ne3A_452 : vector<16xi32>
          %and3A_454 = arith.andi %gt3A_450, %ne3A_453 : vector<16xi1>
          %jit3A_455 = arith.constant 1 : i32
          %broadcast_in_dim3A_456 = vector.broadcast %jit3A_455 : i32 to vector<16xi32>
          %select_n3A_457 = arith.select %and3A_454, %broadcast_in_dim3A_456, %select_n3A_448 : vector<16xi1>, vector<16xi32>
          %select_n3A_458 = arith.select %and3A_454, %get3A_348, %select_n3A_449 : vector<16xi1>, vector<16xf32>
          %gt3A_459 = arith.cmpf ogt, %get3A_357, %select_n3A_458 : vector<16xf32>
          %ne3A_460 = arith.constant 2 : i32
          %ne3A_461 = vector.broadcast %ne3A_460 : i32 to vector<16xi32>
          %ne3A_462 = arith.cmpi ne, %select_n3A_435, %ne3A_461 : vector<16xi32>
          %and3A_463 = arith.andi %gt3A_459, %ne3A_462 : vector<16xi1>
          %jit3A_464 = arith.constant 2 : i32
          %broadcast_in_dim3A_465 = vector.broadcast %jit3A_464 : i32 to vector<16xi32>
          %select_n3A_466 = arith.select %and3A_463, %broadcast_in_dim3A_465, %select_n3A_457 : vector<16xi1>, vector<16xi32>
          %select_n3A_467 = arith.select %and3A_463, %get3A_357, %select_n3A_458 : vector<16xi1>, vector<16xf32>
          %gt3A_468 = arith.cmpf ogt, %get3A_366, %select_n3A_467 : vector<16xf32>
          %ne3A_469 = arith.constant 3 : i32
          %ne3A_470 = vector.broadcast %ne3A_469 : i32 to vector<16xi32>
          %ne3A_471 = arith.cmpi ne, %select_n3A_435, %ne3A_470 : vector<16xi32>
          %and3A_472 = arith.andi %gt3A_468, %ne3A_471 : vector<16xi1>
          %jit3A_473 = arith.constant 3 : i32
          %broadcast_in_dim3A_474 = vector.broadcast %jit3A_473 : i32 to vector<16xi32>
          %select_n3A_475 = arith.select %and3A_472, %broadcast_in_dim3A_474, %select_n3A_466 : vector<16xi1>, vector<16xi32>
          %select_n3A_476 = arith.select %and3A_472, %get3A_366, %select_n3A_467 : vector<16xi1>, vector<16xf32>
          %gt3A_477 = arith.cmpf ogt, %get3A_375, %select_n3A_476 : vector<16xf32>
          %ne3A_478 = arith.constant 4 : i32
          %ne3A_479 = vector.broadcast %ne3A_478 : i32 to vector<16xi32>
          %ne3A_480 = arith.cmpi ne, %select_n3A_435, %ne3A_479 : vector<16xi32>
          %and3A_481 = arith.andi %gt3A_477, %ne3A_480 : vector<16xi1>
          %jit3A_482 = arith.constant 4 : i32
          %broadcast_in_dim3A_483 = vector.broadcast %jit3A_482 : i32 to vector<16xi32>
          %select_n3A_484 = arith.select %and3A_481, %broadcast_in_dim3A_483, %select_n3A_475 : vector<16xi1>, vector<16xi32>
          %select_n3A_485 = arith.select %and3A_481, %get3A_375, %select_n3A_476 : vector<16xi1>, vector<16xf32>
          %gt3A_486 = arith.cmpf ogt, %get3A_384, %select_n3A_485 : vector<16xf32>
          %ne3A_487 = arith.constant 5 : i32
          %ne3A_488 = vector.broadcast %ne3A_487 : i32 to vector<16xi32>
          %ne3A_489 = arith.cmpi ne, %select_n3A_435, %ne3A_488 : vector<16xi32>
          %and3A_490 = arith.andi %gt3A_486, %ne3A_489 : vector<16xi1>
          %jit3A_491 = arith.constant 5 : i32
          %broadcast_in_dim3A_492 = vector.broadcast %jit3A_491 : i32 to vector<16xi32>
          %select_n3A_493 = arith.select %and3A_490, %broadcast_in_dim3A_492, %select_n3A_484 : vector<16xi1>, vector<16xi32>
          %select_n3A_494 = arith.select %and3A_490, %get3A_384, %select_n3A_485 : vector<16xi1>, vector<16xf32>
          %gt3A_495 = arith.cmpf ogt, %get3A_393, %select_n3A_494 : vector<16xf32>
          %ne3A_496 = arith.constant 6 : i32
          %ne3A_497 = vector.broadcast %ne3A_496 : i32 to vector<16xi32>
          %ne3A_498 = arith.cmpi ne, %select_n3A_435, %ne3A_497 : vector<16xi32>
          %and3A_499 = arith.andi %gt3A_495, %ne3A_498 : vector<16xi1>
          %jit3A_500 = arith.constant 6 : i32
          %broadcast_in_dim3A_501 = vector.broadcast %jit3A_500 : i32 to vector<16xi32>
          %select_n3A_502 = arith.select %and3A_499, %broadcast_in_dim3A_501, %select_n3A_493 : vector<16xi1>, vector<16xi32>
          %select_n3A_503 = arith.select %and3A_499, %get3A_393, %select_n3A_494 : vector<16xi1>, vector<16xf32>
          %gt3A_504 = arith.cmpf ogt, %get3A_402, %select_n3A_503 : vector<16xf32>
          %ne3A_505 = arith.constant 7 : i32
          %ne3A_506 = vector.broadcast %ne3A_505 : i32 to vector<16xi32>
          %ne3A_507 = arith.cmpi ne, %select_n3A_435, %ne3A_506 : vector<16xi32>
          %and3A_508 = arith.andi %gt3A_504, %ne3A_507 : vector<16xi1>
          %jit3A_509 = arith.constant 7 : i32
          %broadcast_in_dim3A_510 = vector.broadcast %jit3A_509 : i32 to vector<16xi32>
          %select_n3A_511 = arith.select %and3A_508, %broadcast_in_dim3A_510, %select_n3A_502 : vector<16xi1>, vector<16xi32>
          %select_n3A_512 = arith.select %and3A_508, %get3A_402, %select_n3A_503 : vector<16xi1>, vector<16xf32>
          %swap3A = arith.constant 0 : i32
          %swap3A_513 = arith.constant 0 : i32
          %swap3A_514 = arith.constant 0 : i32
          %swap3A_515 = tpu.memref_slice %run_scoped3A_8[%rem3A_232, %swap3A_513, %swap3A_514] : memref<2x2x128xf32, #tpu.memory_space<vmem>> -> memref<1x2x128xf32, #tpu.memory_space<vmem>>
          %swap3A_516 = tpu.memref_squeeze %swap3A_515 : memref<1x2x128xf32, #tpu.memory_space<vmem>> -> memref<2x128xf32, #tpu.memory_space<vmem>>
          %swap3A_517 = arith.index_cast %swap3A : i32 to index
          %swap3A_518 = arith.index_cast %add3A_331 : i32 to index
          %swap3A_519 = tpu.vector_load %swap3A_516[%swap3A_517, %swap3A_518] {strides = array<i32>} : memref<2x128xf32, #tpu.memory_space<vmem>>, vector<1x16xf32>,
          %swap3A_520 = vector.shape_cast %swap3A_519 : vector<1x16xf32> to vector<16xf32>
          %swap3A_521 = vector.shape_cast %select_n3A_436 : vector<16xf32> to vector<1x16xf32>
          tpu.vector_store %swap3A_516[%swap3A_517, %swap3A_518], %swap3A_521 {strides = array<i32>} : memref<2x128xf32, #tpu.memory_space<vmem>>, vector<1x16xf32>,
          %swap3A_522 = arith.constant 1 : i32
          %swap3A_523 = arith.constant 0 : i32
          %swap3A_524 = arith.constant 0 : i32
          %swap3A_525 = tpu.memref_slice %run_scoped3A_8[%rem3A_232, %swap3A_523, %swap3A_524] : memref<2x2x128xf32, #tpu.memory_space<vmem>> -> memref<1x2x128xf32, #tpu.memory_space<vmem>>
          %swap3A_526 = tpu.memref_squeeze %swap3A_525 : memref<1x2x128xf32, #tpu.memory_space<vmem>> -> memref<2x128xf32, #tpu.memory_space<vmem>>
          %swap3A_527 = arith.index_cast %swap3A_522 : i32 to index
          %swap3A_528 = arith.index_cast %add3A_331 : i32 to index
          %swap3A_529 = tpu.vector_load %swap3A_526[%swap3A_527, %swap3A_528] {strides = array<i32>} : memref<2x128xf32, #tpu.memory_space<vmem>>, vector<1x16xf32>,
          %swap3A_530 = vector.shape_cast %swap3A_529 : vector<1x16xf32> to vector<16xf32>
          %swap3A_531 = vector.shape_cast %select_n3A_512 : vector<16xf32> to vector<1x16xf32>
          tpu.vector_store %swap3A_526[%swap3A_527, %swap3A_528], %swap3A_531 {strides = array<i32>} : memref<2x128xf32, #tpu.memory_space<vmem>>, vector<1x16xf32>,
          %swap3A_532 = arith.constant 0 : i32
          %swap3A_533 = arith.constant 0 : i32
          %swap3A_534 = arith.constant 0 : i32
          %swap3A_535 = tpu.memref_slice %run_scoped3A_10[%rem3A_234, %swap3A_533, %swap3A_534] : memref<2x2x128xi32, #tpu.memory_space<vmem>> -> memref<1x2x128xi32, #tpu.memory_space<vmem>>
          %swap3A_536 = tpu.memref_squeeze %swap3A_535 : memref<1x2x128xi32, #tpu.memory_space<vmem>> -> memref<2x128xi32, #tpu.memory_space<vmem>>
          %swap3A_537 = arith.index_cast %swap3A_532 : i32 to index
          %swap3A_538 = arith.index_cast %add3A_331 : i32 to index
          %swap3A_539 = tpu.vector_load %swap3A_536[%swap3A_537, %swap3A_538] {strides = array<i32>} : memref<2x128xi32, #tpu.memory_space<vmem>>, vector<1x16xi32>,
          %swap3A_540 = vector.shape_cast %swap3A_539 : vector<1x16xi32> to vector<16xi32>
          %swap3A_541 = vector.shape_cast %select_n3A_435 : vector<16xi32> to vector<1x16xi32>
          tpu.vector_store %swap3A_536[%swap3A_537, %swap3A_538], %swap3A_541 {strides = array<i32>} : memref<2x128xi32, #tpu.memory_space<vmem>>, vector<1x16xi32>,
          %swap3A_542 = arith.constant 1 : i32
          %swap3A_543 = arith.constant 0 : i32
          %swap3A_544 = arith.constant 0 : i32
          %swap3A_545 = tpu.memref_slice %run_scoped3A_10[%rem3A_234, %swap3A_543, %swap3A_544] : memref<2x2x128xi32, #tpu.memory_space<vmem>> -> memref<1x2x128xi32, #tpu.memory_space<vmem>>
          %swap3A_546 = tpu.memref_squeeze %swap3A_545 : memref<1x2x128xi32, #tpu.memory_space<vmem>> -> memref<2x128xi32, #tpu.memory_space<vmem>>
          %swap3A_547 = arith.index_cast %swap3A_542 : i32 to index
          %swap3A_548 = arith.index_cast %add3A_331 : i32 to index
          %swap3A_549 = tpu.vector_load %swap3A_546[%swap3A_547, %swap3A_548] {strides = array<i32>} : memref<2x128xi32, #tpu.memory_space<vmem>>, vector<1x16xi32>,
          %swap3A_550 = vector.shape_cast %swap3A_549 : vector<1x16xi32> to vector<16xi32>
          %swap3A_551 = vector.shape_cast %select_n3A_511 : vector<16xi32> to vector<1x16xi32>
          tpu.vector_store %swap3A_546[%swap3A_547, %swap3A_548], %swap3A_551 {strides = array<i32>} : memref<2x128xi32, #tpu.memory_space<vmem>>, vector<1x16xi32>,
        }
        %scan3A_239 = arith.constant 8 : i32
        "tpu.trace_stop"() : () -> ()
        %ne3A_240 = arith.cmpi ne, %add3A_155, %add3A_173 : i32
        %or3A_241 = arith.constant false
        %or3A_242 = arith.ori %or3A_241, %ne3A_240 : i1
        %or3A_243 = arith.ori %or3A_242, %eq3A_154 : i1
        %convert_element_type3A_244 = arith.extui %or3A_243 : i1 to i32
        %cond3A_245 = arith.constant 0 : i32
        %cond3A_246 = arith.cmpi ne, %convert_element_type3A_244, %cond3A_245 : i32
        scf.if %cond3A_246 {
        } else {
        }
        %and3A_247 = arith.constant false
        %and3A_248 = arith.andi %or3A_243, %and3A_247 : i1
        %ne3A_249 = arith.cmpi ne, %add3A_155, %add3A_173 : i32
        %or3A_250 = arith.constant false
        %or3A_251 = arith.ori %or3A_250, %ne3A_249 : i1
        %or3A_252 = arith.ori %or3A_251, %eq3A_154 : i1
        %convert_element_type3A_253 = arith.extui %or3A_252 : i1 to i32
        %cond3A_254 = arith.constant 0 : i32
        %cond3A_255 = arith.cmpi ne, %convert_element_type3A_253, %cond3A_254 : i32
        scf.if %cond3A_255 {
          "tpu.trace_start"() <{level = 10 : i32, message = "ep_copy_out"}> : () -> ()
          %rem3A_327 = arith.constant 2 : i32
          %rem3A_328 = arith.remui %scan3A_146, %rem3A_327 : i32
          %mul3A_329 = arith.constant 128 : i32
          %mul3A_330 = arith.muli %mul3A_329, %add3A_155 : i32
          %dma_start3A_331 = arith.constant 0 : i32
          %dma_start3A_332 = arith.constant 0 : i32
          %dma_start3A_333 = tpu.memref_slice %run_scoped3A_8[%rem3A_328, %dma_start3A_331, %dma_start3A_332] : memref<2x2x128xf32, #tpu.memory_space<vmem>> -> memref<1x2x128xf32, #tpu.memory_space<vmem>>
          %dma_start3A_334 = tpu.memref_squeeze %dma_start3A_333 : memref<1x2x128xf32, #tpu.memory_space<vmem>> -> memref<2x128xf32, #tpu.memory_space<vmem>>
          %dma_start3A_335 = arith.constant 0 : i32
          %dma_start3A_336 = tpu.memref_slice %arg3[%dma_start3A_335, %mul3A_330] : memref<2x32768xf32, #tpu.memory_space<hbm>> -> memref<2x128xf32, #tpu.memory_space<hbm>>
          %dma_start3A_337 = tpu.memref_slice %run_scoped3A_9[%rem3A_328] : memref<2x!tpu.dma_semaphore, #tpu.memory_space<semaphore_mem>> -> memref<1x!tpu.dma_semaphore, #tpu.memory_space<semaphore_mem>>
          %dma_start3A_338 = tpu.memref_squeeze %dma_start3A_337 : memref<1x!tpu.dma_semaphore, #tpu.memory_space<semaphore_mem>> -> memref<!tpu.dma_semaphore, #tpu.memory_space<semaphore_mem>>
          %dma_start3A_339 = arith.constant 0 : i32
          %dma_start3A_340 = tpu.memref_slice %arg3[%dma_start3A_339, %mul3A_330] : memref<2x32768xf32, #tpu.memory_space<hbm>> -> memref<2x128xf32, #tpu.memory_space<hbm>>
          %dma_start3A_341 = arith.constant 0 : i32
          %dma_start3A_342 = arith.constant 0 : i32
          %dma_start3A_343 = tpu.memref_slice %run_scoped3A_8[%rem3A_328, %dma_start3A_341, %dma_start3A_342] : memref<2x2x128xf32, #tpu.memory_space<vmem>> -> memref<1x2x128xf32, #tpu.memory_space<vmem>>
          %dma_start3A_344 = tpu.memref_squeeze %dma_start3A_343 : memref<1x2x128xf32, #tpu.memory_space<vmem>> -> memref<2x128xf32, #tpu.memory_space<vmem>>
          tpu.enqueue_dma source(%dma_start3A_344 : memref<2x128xf32, #tpu.memory_space<vmem>>) target(%dma_start3A_340 : memref<2x128xf32, #tpu.memory_space<hbm>>) target_semaphore(%dma_start3A_338 : memref<!tpu.dma_semaphore, #tpu.memory_space<semaphore_mem>>)
          "tpu.trace_stop"() : () -> ()
        } else {
        }
        %and3A_256 = arith.constant true
        %and3A_257 = arith.andi %or3A_252, %and3A_256 : i1
        %add3A_258 = arith.constant 1 : i32
        %add3A_259 = arith.addi %scan3A_146, %add3A_258 : i32
        %select_n3A_260 = arith.select %and3A_257, %add3A_259, %scan3A_146 : i32
        %ne3A_261 = arith.cmpi ne, %add3A_155, %add3A_173 : i32
        %or3A_262 = arith.constant false
        %or3A_263 = arith.ori %or3A_262, %ne3A_261 : i1
        %or3A_264 = arith.ori %or3A_263, %eq3A_154 : i1
        %convert_element_type3A_265 = arith.extui %or3A_264 : i1 to i32
        %cond3A_266 = arith.constant 0 : i32
        %cond3A_267 = arith.cmpi ne, %convert_element_type3A_265, %cond3A_266 : i32
        scf.if %cond3A_267 {
          "tpu.trace_start"() <{level = 10 : i32, message = "ep_copy_out"}> : () -> ()
          %rem3A_327 = arith.constant 2 : i32
          %rem3A_328 = arith.remui %scan3A_148, %rem3A_327 : i32
          %mul3A_329 = arith.constant 128 : i32
          %mul3A_330 = arith.muli %mul3A_329, %add3A_155 : i32
          %dma_start3A_331 = arith.constant 0 : i32
          %dma_start3A_332 = arith.constant 0 : i32
          %dma_start3A_333 = tpu.memref_slice %run_scoped3A_10[%rem3A_328, %dma_start3A_331, %dma_start3A_332] : memref<2x2x128xi32, #tpu.memory_space<vmem>> -> memref<1x2x128xi32, #tpu.memory_space<vmem>>
          %dma_start3A_334 = tpu.memref_squeeze %dma_start3A_333 : memref<1x2x128xi32, #tpu.memory_space<vmem>> -> memref<2x128xi32, #tpu.memory_space<vmem>>
          %dma_start3A_335 = arith.constant 0 : i32
          %dma_start3A_336 = tpu.memref_slice %arg4[%dma_start3A_335, %mul3A_330] : memref<2x32768xi32, #tpu.memory_space<hbm>> -> memref<2x128xi32, #tpu.memory_space<hbm>>
          %dma_start3A_337 = tpu.memref_slice %run_scoped3A_11[%rem3A_328] : memref<2x!tpu.dma_semaphore, #tpu.memory_space<semaphore_mem>> -> memref<1x!tpu.dma_semaphore, #tpu.memory_space<semaphore_mem>>
          %dma_start3A_338 = tpu.memref_squeeze %dma_start3A_337 : memref<1x!tpu.dma_semaphore, #tpu.memory_space<semaphore_mem>> -> memref<!tpu.dma_semaphore, #tpu.memory_space<semaphore_mem>>
          %dma_start3A_339 = arith.constant 0 : i32
          %dma_start3A_340 = tpu.memref_slice %arg4[%dma_start3A_339, %mul3A_330] : memref<2x32768xi32, #tpu.memory_space<hbm>> -> memref<2x128xi32, #tpu.memory_space<hbm>>
          %dma_start3A_341 = arith.constant 0 : i32
          %dma_start3A_342 = arith.constant 0 : i32
          %dma_start3A_343 = tpu.memref_slice %run_scoped3A_10[%rem3A_328, %dma_start3A_341, %dma_start3A_342] : memref<2x2x128xi32, #tpu.memory_space<vmem>> -> memref<1x2x128xi32, #tpu.memory_space<vmem>>
          %dma_start3A_344 = tpu.memref_squeeze %dma_start3A_343 : memref<1x2x128xi32, #tpu.memory_space<vmem>> -> memref<2x128xi32, #tpu.memory_space<vmem>>
          tpu.enqueue_dma source(%dma_start3A_344 : memref<2x128xi32, #tpu.memory_space<vmem>>) target(%dma_start3A_340 : memref<2x128xi32, #tpu.memory_space<hbm>>) target_semaphore(%dma_start3A_338 : memref<!tpu.dma_semaphore, #tpu.memory_space<semaphore_mem>>)
          "tpu.trace_stop"() : () -> ()
        } else {
        }
        %and3A_268 = arith.constant true
        %and3A_269 = arith.andi %or3A_264, %and3A_268 : i1
        %add3A_270 = arith.constant 1 : i32
        %add3A_271 = arith.addi %scan3A_148, %add3A_270 : i32
        %select_n3A_272 = arith.select %and3A_269, %add3A_271, %scan3A_148 : i32
        %ne3A_273 = arith.cmpi ne, %add3A_155, %add3A_164 : i32
        %or3A_274 = arith.constant false
        %or3A_275 = arith.ori %or3A_274, %ne3A_273 : i1
        %not3A_276 = arith.constant true
        %not3A_277 = arith.xori %eq3A_152, %not3A_276 : i1
        %and3A_278 = arith.andi %or3A_275, %not3A_277 : i1
        %convert_element_type3A_279 = arith.extui %and3A_278 : i1 to i32
        %cond3A_280 = arith.constant 0 : i32
        %cond3A_281 = arith.cmpi ne, %convert_element_type3A_279, %cond3A_280 : i32
        scf.if %cond3A_281 {
        } else {
        }
        %and3A_282 = arith.constant false
        %and3A_283 = arith.andi %and3A_278, %and3A_282 : i1
        %ne3A_284 = arith.cmpi ne, %add3A_155, %add3A_164 : i32
        %or3A_285 = arith.constant false
        %or3A_286 = arith.ori %or3A_285, %ne3A_284 : i1
        %not3A_287 = arith.constant true
        %not3A_288 = arith.xori %eq3A_152, %not3A_287 : i1
        %and3A_289 = arith.andi %or3A_286, %not3A_288 : i1
        %convert_element_type3A_290 = arith.extui %and3A_289 : i1 to i32
        %cond3A_291 = arith.constant 0 : i32
        %cond3A_292 = arith.cmpi ne, %convert_element_type3A_290, %cond3A_291 : i32
        scf.if %cond3A_292 {
          "tpu.trace_start"() <{level = 10 : i32, message = "ep_wait_out"}> : () -> ()
          %rem3A_327 = arith.constant 2 : i32
          %rem3A_328 = arith.remui %scan3A_147, %rem3A_327 : i32
          %mul3A_329 = arith.constant 128 : i32
          %mul3A_330 = arith.muli %mul3A_329, %add3A_164 : i32
          %dma_wait3A_331 = arith.constant 0 : i32
          %dma_wait3A_332 = arith.constant 0 : i32
          %dma_wait3A_333 = tpu.memref_slice %run_scoped3A_8[%rem3A_328, %dma_wait3A_331, %dma_wait3A_332] : memref<2x2x128xf32, #tpu.memory_space<vmem>> -> memref<1x2x128xf32, #tpu.memory_space<vmem>>
          %dma_wait3A_334 = tpu.memref_squeeze %dma_wait3A_333 : memref<1x2x128xf32, #tpu.memory_space<vmem>> -> memref<2x128xf32, #tpu.memory_space<vmem>>
          %dma_wait3A_335 = arith.constant 0 : i32
          %dma_wait3A_336 = tpu.memref_slice %arg3[%dma_wait3A_335, %mul3A_330] : memref<2x32768xf32, #tpu.memory_space<hbm>> -> memref<2x128xf32, #tpu.memory_space<hbm>>
          %dma_wait3A_337 = tpu.memref_slice %run_scoped3A_9[%rem3A_328] : memref<2x!tpu.dma_semaphore, #tpu.memory_space<semaphore_mem>> -> memref<1x!tpu.dma_semaphore, #tpu.memory_space<semaphore_mem>>
          %dma_wait3A_338 = tpu.memref_squeeze %dma_wait3A_337 : memref<1x!tpu.dma_semaphore, #tpu.memory_space<semaphore_mem>> -> memref<!tpu.dma_semaphore, #tpu.memory_space<semaphore_mem>>
          %dma_wait3A_339 = arith.constant 0 : i32
          %dma_wait3A_340 = tpu.memref_slice %arg3[%dma_wait3A_339, %mul3A_330] : memref<2x32768xf32, #tpu.memory_space<hbm>> -> memref<2x128xf32, #tpu.memory_space<hbm>>
          %dma_wait3A_341 = arith.constant 0 : i32
          %dma_wait3A_342 = arith.constant 0 : i32
          %dma_wait3A_343 = tpu.memref_slice %run_scoped3A_8[%rem3A_328, %dma_wait3A_341, %dma_wait3A_342] : memref<2x2x128xf32, #tpu.memory_space<vmem>> -> memref<1x2x128xf32, #tpu.memory_space<vmem>>
          %dma_wait3A_344 = tpu.memref_squeeze %dma_wait3A_343 : memref<1x2x128xf32, #tpu.memory_space<vmem>> -> memref<2x128xf32, #tpu.memory_space<vmem>>
          tpu.wait_dma2 semaphore(%dma_wait3A_338 : memref<!tpu.dma_semaphore, #tpu.memory_space<semaphore_mem>>) src(%dma_wait3A_344 : memref<2x128xf32, #tpu.memory_space<vmem>>) dst(%dma_wait3A_340 : memref<2x128xf32, #tpu.memory_space<hbm>>)
          "tpu.trace_stop"() : () -> ()
        } else {
        }
        %and3A_293 = arith.constant true
        %and3A_294 = arith.andi %and3A_289, %and3A_293 : i1
        %add3A_295 = arith.constant 1 : i32
        %add3A_296 = arith.addi %scan3A_147, %add3A_295 : i32
        %select_n3A_297 = arith.select %and3A_294, %add3A_296, %scan3A_147 : i32
        %ne3A_298 = arith.cmpi ne, %add3A_155, %add3A_164 : i32
        %or3A_299 = arith.constant false
        %or3A_300 = arith.ori %or3A_299, %ne3A_298 : i1
        %not3A_301 = arith.constant true
        %not3A_302 = arith.xori %eq3A_152, %not3A_301 : i1
        %and3A_303 = arith.andi %or3A_300, %not3A_302 : i1
        %convert_element_type3A_304 = arith.extui %and3A_303 : i1 to i32
        %cond3A_305 = arith.constant 0 : i32
        %cond3A_306 = arith.cmpi ne, %convert_element_type3A_304, %cond3A_305 : i32
        scf.if %cond3A_306 {
          "tpu.trace_start"() <{level = 10 : i32, message = "ep_wait_out"}> : () -> ()
          %rem3A_327 = arith.constant 2 : i32
          %rem3A_328 = arith.remui %scan3A_149, %rem3A_327 : i32
          %mul3A_329 = arith.constant 128 : i32
          %mul3A_330 = arith.muli %mul3A_329, %add3A_164 : i32
          %dma_wait3A_331 = arith.constant 0 : i32
          %dma_wait3A_332 = arith.constant 0 : i32
          %dma_wait3A_333 = tpu.memref_slice %run_scoped3A_10[%rem3A_328, %dma_wait3A_331, %dma_wait3A_332] : memref<2x2x128xi32, #tpu.memory_space<vmem>> -> memref<1x2x128xi32, #tpu.memory_space<vmem>>
          %dma_wait3A_334 = tpu.memref_squeeze %dma_wait3A_333 : memref<1x2x128xi32, #tpu.memory_space<vmem>> -> memref<2x128xi32, #tpu.memory_space<vmem>>
          %dma_wait3A_335 = arith.constant 0 : i32
          %dma_wait3A_336 = tpu.memref_slice %arg4[%dma_wait3A_335, %mul3A_330] : memref<2x32768xi32, #tpu.memory_space<hbm>> -> memref<2x128xi32, #tpu.memory_space<hbm>>
          %dma_wait3A_337 = tpu.memref_slice %run_scoped3A_11[%rem3A_328] : memref<2x!tpu.dma_semaphore, #tpu.memory_space<semaphore_mem>> -> memref<1x!tpu.dma_semaphore, #tpu.memory_space<semaphore_mem>>
          %dma_wait3A_338 = tpu.memref_squeeze %dma_wait3A_337 : memref<1x!tpu.dma_semaphore, #tpu.memory_space<semaphore_mem>> -> memref<!tpu.dma_semaphore, #tpu.memory_space<semaphore_mem>>
          %dma_wait3A_339 = arith.constant 0 : i32
          %dma_wait3A_340 = tpu.memref_slice %arg4[%dma_wait3A_339, %mul3A_330] : memref<2x32768xi32, #tpu.memory_space<hbm>> -> memref<2x128xi32, #tpu.memory_space<hbm>>
          %dma_wait3A_341 = arith.constant 0 : i32
          %dma_wait3A_342 = arith.constant 0 : i32
          %dma_wait3A_343 = tpu.memref_slice %run_scoped3A_10[%rem3A_328, %dma_wait3A_341, %dma_wait3A_342] : memref<2x2x128xi32, #tpu.memory_space<vmem>> -> memref<1x2x128xi32, #tpu.memory_space<vmem>>
          %dma_wait3A_344 = tpu.memref_squeeze %dma_wait3A_343 : memref<1x2x128xi32, #tpu.memory_space<vmem>> -> memref<2x128xi32, #tpu.memory_space<vmem>>
          tpu.wait_dma2 semaphore(%dma_wait3A_338 : memref<!tpu.dma_semaphore, #tpu.memory_space<semaphore_mem>>) src(%dma_wait3A_344 : memref<2x128xi32, #tpu.memory_space<vmem>>) dst(%dma_wait3A_340 : memref<2x128xi32, #tpu.memory_space<hbm>>)
          "tpu.trace_stop"() : () -> ()
        } else {
        }
        %and3A_307 = arith.constant true
        %and3A_308 = arith.andi %and3A_303, %and3A_307 : i1
        %add3A_309 = arith.constant 1 : i32
        %add3A_310 = arith.addi %scan3A_149, %add3A_309 : i32
        %select_n3A_311 = arith.select %and3A_308, %add3A_310, %scan3A_149 : i32
        %ne3A_312 = arith.cmpi ne, %add3A_155, %add3A_173 : i32
        %or3A_313 = arith.constant false
        %or3A_314 = arith.ori %or3A_313, %ne3A_312 : i1
        %or3A_315 = arith.ori %or3A_314, %eq3A_154 : i1
        %add3A_316 = arith.constant 1 : i32
        %add3A_317 = arith.addi %scan3A_145, %add3A_316 : i32
        %select_n3A_318 = arith.select %or3A_315, %add3A_317, %scan3A_145 : i32
        %add3A_319 = arith.constant 1 : i32
        %add3A_320 = arith.addi %scan3A_150, %add3A_319 : i32
        %select_n3A_321 = arith.constant true
        %select_n3A_322 = arith.select %select_n3A_321, %add3A_320, %scan3A_150 : i32
        %eq3A_323 = arith.constant 8 : i32
        %eq3A_324 = arith.cmpi eq, %select_n3A_322, %eq3A_323 : i32
        %select_n3A_325 = arith.constant 0 : i32
        %select_n3A_326 = arith.select %eq3A_324, %select_n3A_325, %select_n3A_322 : i32
        scf.yield %select_n3A_191, %select_n3A_318, %select_n3A_260, %select_n3A_297, %select_n3A_272, %select_n3A_311, %select_n3A_326 : i32, i32, i32, i32, i32, i32, i32
      }
      %scan3A_72 = arith.constant 8 : i32
      %sub3A = arith.constant 1 : i32
      %sub3A_73 = arith.subi %scan3A_71#6, %sub3A : i32
      %select_n3A_74 = arith.constant true
      %select_n3A_75 = arith.select %select_n3A_74, %sub3A_73, %scan3A_71#6 : i32
      %eq3A_76 = arith.constant -1 : i32
      %eq3A_77 = arith.cmpi eq, %select_n3A_75, %eq3A_76 : i32
      %select_n3A_78 = arith.constant 7 : i32
      %select_n3A_79 = arith.select %eq3A_77, %select_n3A_78, %select_n3A_75 : i32
      %add3A_80 = arith.addi %select_n3A_79, %mul3A_6 : i32
      %sub3A_81 = arith.constant 1 : i32
      %sub3A_82 = arith.subi %select_n3A_79, %sub3A_81 : i32
      %select_n3A_83 = arith.constant true
      %select_n3A_84 = arith.select %select_n3A_83, %sub3A_82, %select_n3A_79 : i32
      %eq3A_85 = arith.constant -1 : i32
      %eq3A_86 = arith.cmpi eq, %select_n3A_84, %eq3A_85 : i32
      %select_n3A_87 = arith.constant 7 : i32
      %select_n3A_88 = arith.select %eq3A_86, %select_n3A_87, %select_n3A_84 : i32
      %add3A_89 = arith.addi %select_n3A_88, %mul3A_6 : i32
      %add3A_90 = arith.constant 1 : i32
      %add3A_91 = arith.addi %select_n3A_79, %add3A_90 : i32
      %select_n3A_92 = arith.constant true
      %select_n3A_93 = arith.select %select_n3A_92, %add3A_91, %select_n3A_79 : i32
      %eq3A_94 = arith.constant 8 : i32
      %eq3A_95 = arith.cmpi eq, %select_n3A_93, %eq3A_94 : i32
      %select_n3A_96 = arith.constant 0 : i32
      %select_n3A_97 = arith.select %eq3A_95, %select_n3A_96, %select_n3A_93 : i32
      %add3A_98 = arith.addi %select_n3A_97, %mul3A_6 : i32
      %add3A_99 = arith.constant 1 : i32
      %add3A_100 = arith.addi %select_n3A_97, %add3A_99 : i32
      %select_n3A_101 = arith.constant true
      %select_n3A_102 = arith.select %select_n3A_101, %add3A_100, %select_n3A_97 : i32
      %eq3A_103 = arith.constant 8 : i32
      %eq3A_104 = arith.cmpi eq, %select_n3A_102, %eq3A_103 : i32
      %select_n3A_105 = arith.constant 0 : i32
      %select_n3A_106 = arith.select %eq3A_104, %select_n3A_105, %select_n3A_102 : i32
      %add3A_107 = arith.addi %select_n3A_106, %mul3A_6 : i32
      "tpu.trace_start"() <{level = 10 : i32, message = "ep_finalize"}> : () -> ()
      %rem3A_108 = arith.constant 2 : i32
      %rem3A_109 = arith.remui %scan3A_71#3, %rem3A_108 : i32
      %mul3A_110 = arith.constant 128 : i32
      %mul3A_111 = arith.muli %mul3A_110, %add3A_80 : i32
      %dma_wait3A = arith.constant 0 : i32
      %dma_wait3A_112 = arith.constant 0 : i32
      %dma_wait3A_113 = tpu.memref_slice %run_scoped3A_8[%rem3A_109, %dma_wait3A, %dma_wait3A_112] : memref<2x2x128xf32, #tpu.memory_space<vmem>> -> memref<1x2x128xf32, #tpu.memory_space<vmem>>
      %dma_wait3A_114 = tpu.memref_squeeze %dma_wait3A_113 : memref<1x2x128xf32, #tpu.memory_space<vmem>> -> memref<2x128xf32, #tpu.memory_space<vmem>>
      %dma_wait3A_115 = arith.constant 0 : i32
      %dma_wait3A_116 = tpu.memref_slice %arg3[%dma_wait3A_115, %mul3A_111] : memref<2x32768xf32, #tpu.memory_space<hbm>> -> memref<2x128xf32, #tpu.memory_space<hbm>>
      %dma_wait3A_117 = tpu.memref_slice %run_scoped3A_9[%rem3A_109] : memref<2x!tpu.dma_semaphore, #tpu.memory_space<semaphore_mem>> -> memref<1x!tpu.dma_semaphore, #tpu.memory_space<semaphore_mem>>
      %dma_wait3A_118 = tpu.memref_squeeze %dma_wait3A_117 : memref<1x!tpu.dma_semaphore, #tpu.memory_space<semaphore_mem>> -> memref<!tpu.dma_semaphore, #tpu.memory_space<semaphore_mem>>
      %dma_wait3A_119 = arith.constant 0 : i32
      %dma_wait3A_120 = tpu.memref_slice %arg3[%dma_wait3A_119, %mul3A_111] : memref<2x32768xf32, #tpu.memory_space<hbm>> -> memref<2x128xf32, #tpu.memory_space<hbm>>
      %dma_wait3A_121 = arith.constant 0 : i32
      %dma_wait3A_122 = arith.constant 0 : i32
      %dma_wait3A_123 = tpu.memref_slice %run_scoped3A_8[%rem3A_109, %dma_wait3A_121, %dma_wait3A_122] : memref<2x2x128xf32, #tpu.memory_space<vmem>> -> memref<1x2x128xf32, #tpu.memory_space<vmem>>
      %dma_wait3A_124 = tpu.memref_squeeze %dma_wait3A_123 : memref<1x2x128xf32, #tpu.memory_space<vmem>> -> memref<2x128xf32, #tpu.memory_space<vmem>>
      tpu.wait_dma2 semaphore(%dma_wait3A_118 : memref<!tpu.dma_semaphore, #tpu.memory_space<semaphore_mem>>) src(%dma_wait3A_124 : memref<2x128xf32, #tpu.memory_space<vmem>>) dst(%dma_wait3A_120 : memref<2x128xf32, #tpu.memory_space<hbm>>)
      %rem3A_125 = arith.constant 2 : i32
      %rem3A_126 = arith.remui %scan3A_71#5, %rem3A_125 : i32
      %mul3A_127 = arith.constant 128 : i32
      %mul3A_128 = arith.muli %mul3A_127, %add3A_80 : i32
      %dma_wait3A_129 = arith.constant 0 : i32
      %dma_wait3A_130 = arith.constant 0 : i32
      %dma_wait3A_131 = tpu.memref_slice %run_scoped3A_10[%rem3A_126, %dma_wait3A_129, %dma_wait3A_130] : memref<2x2x128xi32, #tpu.memory_space<vmem>> -> memref<1x2x128xi32, #tpu.memory_space<vmem>>
      %dma_wait3A_132 = tpu.memref_squeeze %dma_wait3A_131 : memref<1x2x128xi32, #tpu.memory_space<vmem>> -> memref<2x128xi32, #tpu.memory_space<vmem>>
      %dma_wait3A_133 = arith.constant 0 : i32
      %dma_wait3A_134 = tpu.memref_slice %arg4[%dma_wait3A_133, %mul3A_128] : memref<2x32768xi32, #tpu.memory_space<hbm>> -> memref<2x128xi32, #tpu.memory_space<hbm>>
      %dma_wait3A_135 = tpu.memref_slice %run_scoped3A_11[%rem3A_126] : memref<2x!tpu.dma_semaphore, #tpu.memory_space<semaphore_mem>> -> memref<1x!tpu.dma_semaphore, #tpu.memory_space<semaphore_mem>>
      %dma_wait3A_136 = tpu.memref_squeeze %dma_wait3A_135 : memref<1x!tpu.dma_semaphore, #tpu.memory_space<semaphore_mem>> -> memref<!tpu.dma_semaphore, #tpu.memory_space<semaphore_mem>>
      %dma_wait3A_137 = arith.constant 0 : i32
      %dma_wait3A_138 = tpu.memref_slice %arg4[%dma_wait3A_137, %mul3A_128] : memref<2x32768xi32, #tpu.memory_space<hbm>> -> memref<2x128xi32, #tpu.memory_space<hbm>>
      %dma_wait3A_139 = arith.constant 0 : i32
      %dma_wait3A_140 = arith.constant 0 : i32
      %dma_wait3A_141 = tpu.memref_slice %run_scoped3A_10[%rem3A_126, %dma_wait3A_139, %dma_wait3A_140] : memref<2x2x128xi32, #tpu.memory_space<vmem>> -> memref<1x2x128xi32, #tpu.memory_space<vmem>>
      %dma_wait3A_142 = tpu.memref_squeeze %dma_wait3A_141 : memref<1x2x128xi32, #tpu.memory_space<vmem>> -> memref<2x128xi32, #tpu.memory_space<vmem>>
      tpu.wait_dma2 semaphore(%dma_wait3A_136 : memref<!tpu.dma_semaphore, #tpu.memory_space<semaphore_mem>>) src(%dma_wait3A_142 : memref<2x128xi32, #tpu.memory_space<vmem>>) dst(%dma_wait3A_138 : memref<2x128xi32, #tpu.memory_space<hbm>>)
      "tpu.trace_stop"() : () -> ()
      tpu.yield
    }) : () -> ()
    return
  }
}

module attributes {stable_mosaic.version = 14 : i64} {
  func.func @_probs_kernel(%arg0: i32, %arg1: memref<4096x768xf32, #tpu.memory_space<vmem>>, %arg2: memref<8x768xf32, #tpu.memory_space<vmem>>, %arg3: memref<8x4096xf32, #tpu.memory_space<vmem>>) attributes {dimension_semantics = [#tpu.dimension_semantics<parallel>], iteration_bounds = array<i64: 8>, scalar_prefetch = 0 : i64, scratch_operands = 0 : i64, tpu.core_type = #tpu.core_type<tc>, window_params = [{transform_indices = @transform_0, window_bounds = array<i64: 4096, 768>}, {pipeline_mode = #tpu.pipeline_mode<synchronous>, transform_indices = @transform_1, window_bounds = array<i64: 8, 768>}, {transform_indices = @transform_2, window_bounds = array<i64: 8, 4096>}]} {
    %get3A = arith.constant 0 : index
    %get3A_0 = arith.constant 0 : index
    %get3A_1 = vector.load %arg1[%get3A, %get3A_0] : memref<4096x768xf32, #tpu.memory_space<vmem>>, vector<4096x768xf32>
    %get3A_2 = arith.constant 0 : index
    %get3A_3 = arith.constant 0 : index
    %get3A_4 = vector.load %arg2[%get3A_2, %get3A_3] : memref<8x768xf32, #tpu.memory_space<vmem>>, vector<8x768xf32>
    %dot_general3A = arith.constant dense<0.000000e+00> : vector<8x4096xf32>
    %dot_general3A_5 = tpu.matmul %get3A_4, %get3A_1, %dot_general3A {dimension_numbers = #tpu.dot_dimension_numbers<[1], [1], [0], [0], [0, 0, 1, 0], [], []>, transpose_lhs_hint = false} : vector<8x768xf32>, vector<4096x768xf32>, vector<8x4096xf32> -> vector<8x4096xf32>
    %reduce_max3A = arith.constant dense<0xFF800000> : vector<4096xf32>
    %reduce_max3A_6 = vector.multi_reduction <maximumf>, %dot_general3A_5, %reduce_max3A [0] : vector<8x4096xf32> to vector<4096xf32>
    %broadcast_in_dim3A = vector.shape_cast %reduce_max3A_6 : vector<4096xf32> to vector<1x4096xf32>
    %sub3A = vector.broadcast %broadcast_in_dim3A : vector<1x4096xf32> to vector<8x4096xf32>
    %sub3A_7 = arith.subf %dot_general3A_5, %sub3A : vector<8x4096xf32>
    %exp3A = math.exp %sub3A_7 : vector<8x4096xf32>
    %reduce_sum3A = arith.constant dense<0.000000e+00> : vector<4096xf32>
    %reduce_sum3A_8 = vector.multi_reduction <add>, %exp3A, %reduce_sum3A [0] : vector<8x4096xf32> to vector<4096xf32>
    %broadcast_in_dim3A_9 = vector.shape_cast %reduce_sum3A_8 : vector<4096xf32> to vector<1x4096xf32>
    %div3A = vector.broadcast %broadcast_in_dim3A_9 : vector<1x4096xf32> to vector<8x4096xf32>
    %div3A_10 = arith.divf %exp3A, %div3A : vector<8x4096xf32>
    %swap3A = arith.constant 0 : index
    %swap3A_11 = arith.constant 0 : index
    %swap3A_12 = vector.load %arg3[%swap3A, %swap3A_11] : memref<8x4096xf32, #tpu.memory_space<vmem>>, vector<8x4096xf32>
    tpu.vector_store %arg3[%swap3A, %swap3A_11], %div3A_10 {strides = array<i32>} : memref<8x4096xf32, #tpu.memory_space<vmem>>, vector<8x4096xf32>,
    return
  }
  func.func @transform_0(%arg0: i32) -> (i32, i32) {
    %c0_i32 = arith.constant 0 : i32
    %c0_i32_0 = arith.constant 0 : i32
    return %arg0, %c0_i32 : i32, i32
  }
  func.func @transform_1(%arg0: i32) -> (i32, i32) {
    %c0_i32 = arith.constant 0 : i32
    %c0_i32_0 = arith.constant 0 : i32
    %c0_i32_1 = arith.constant 0 : i32
    return %c0_i32, %c0_i32_0 : i32, i32
  }
  func.func @transform_2(%arg0: i32) -> (i32, i32) {
    %c0_i32 = arith.constant 0 : i32
    %c0_i32_0 = arith.constant 0 : i32
    return %c0_i32, %arg0 : i32, i32
  }
}

</mosaic_0001>

<sc_bundles>
// kernel: kernel.4.cloned.1.call-start
scs
__scs_entry_jumppad:
0x0: {  	(pc) =	sbr.rel $0x88, $3  }
0x1: {  	(tag) =	ssettag $0x0;
	lr =	simm.s32 $0x1  }
0x2: {  	[smem:$0x3F9F] =	sst lr;
	_ =	strace $0xD0000000  }
0x3: {  	_ = 	snop  }
0x4: {  	_ = 	snop  }
0x5: {  	_ = 	snop  }
0x6: {  	_ = 	snop  }
0x7: {  	_ = 	snop  }
__scs_overlays_trampoline_lowered:
0x8: {  	[smem:$0x3FAE] =	sst s0  }
0x9: {  	[smem:$0x3FAF] =	sst s1  }
0xa: {  	[smem:$0x3FB0] =	sst s2  }
0xb: {  	[smem:$0x3FB1] =	sst s3  }
0xc: {  	[smem:$0x3FB2] =	sst s4  }
0xd: {  	[smem:$0x3FB3] =	sst s5  }
0xe: {  	[smem:$0x3FB4] =	sst s6  }
0xf: {  	[smem:$0x3FB5] =	sst s7  }
0x10: {  	[smem:$0x3FB6] =	sst s8  }
0x11: {  	[smem:$0x3FB7] =	sst s9;
	s0 =	simm.s32 @!p0 $0x0  }
0x12: {  	s1 =	sld [smem:$0x3F9D];
	s0 =	simm.s32 @p0 $0x1  }
0x13: {  	[smem:$0x3FB8] =	sst s0;
	s0 =	simm.s32 @!p1 $0x0  }
0x14: {  	s2 =	sld [smem:$0x3F9C];
	s0 =	simm.s32 @p1 $0x1  }
0x15: {  	[smem:$0x3FB9] =	sst s0;
	s0 =	simm.s32 @!p2 $0x0  }
0x16: {  	s3 =	sld [smem:$0x3FDB];
	s0 =	simm.s32 @p2 $0x1  }
0x17: {  	s4 =	simm.s32 $0x1BF5;
	[smem:$0x3FBB] =	sst s0  }
0x18: {  	s0 =	sld [smem:$0x3F9E];
	_ =	swait.ge [sflag:s4], $0x0  }
0x19: {  	s7 =	sld [smem:$0x3F9F]  }
0x1a: {  	s8 =	sadd.s32 $0xFFFFE003, lr  }
0x1b: {  	s9 =	sadd.s32 $0xFFFFFEF7, lr;
	s5 =	simm.s32 $0xFFFFFFFF;
	p2 =	slt.u32 s8, $0xFFFFF086  }
0x1c: {  	p1 =	slt.u32 s9, $0xF7A;
	s5 =	simm.s32 @!p2 $0x0  }
0x1d: {  	s5 =	simm.s32 @p1 $0x1;
	p0 =	seq.s32 s7, s2  }
0x1e: {  	s7 =	smul.u32 @!p0 $0xF7A, s2;
	p2 =	seq.s32 @!p0 s5, $0x0  }
0x1f: {  	s9 =	smul.u32 $0xF7A, s1;
	s8 =	simm.s32 @!p0 $0x1BF5;
	p2 =	por !p2, p0  }
0x20: {  	[sflag:s8] =	ssyncset.s32 @!p0 $0xFFFFF086;
	s6 =	sadd.s32 @!p0 s3, s7;
	s7 =	simm.s32 @!p0 $0x108  }
0x21: {  	s3 =	sadd.s32 s3, s9;
	s6 =	sadd.s32 @!p0 $0x88, s6;
	s7 =	simm.s32 @p2 $0x1082  }
0x22: {  	[simem:s7], [sflag:s8] =	dma.local @!p0 [hbm:s6], $0xF7A  }
0x23: {  	s9 =	sor.u32 $0xD0000000, s2;
	s6 =	simm.s32 $0x108;
	_ =	swait.ge @!p0 [sflag:s8], $0x0  }
0x24: {  	s3 =	sadd.s32 $0x88, s3;
	s6 =	simm.s32 @!p1 $0x1082;
	[sflag:s4] =	ssyncset.s32 $0xFFFFF086  }
0x25: {  	[simem:s6], [sflag:s4] =	dma.local [hbm:s3], $0xF7A  }
0x26: {  	[smem:$0x3F9F] =	sst s1;
	(tag) =	ssettag s2;
	_ =	strace s9  }
0x27: {  	s1 =	sld [smem:$0x3FAF]  }
0x28: {  	s2 =	sld [smem:$0x3FB0]  }
0x29: {  	s4 =	sld [smem:$0x3FB2]  }
0x2a: {  	p0 =	seq.s32 s5, $0x0;
	s5 =	sld [smem:$0x3FB3]  }
0x2b: {  	s6 =	sld [smem:$0x3FB4]  }
0x2c: {  	s7 =	sld [smem:$0x3FB5]  }
0x2d: {  	s3 =	simm.s32 $0x108;
	s8 =	sld [smem:$0x3FB6]  }
0x2e: {  	s3 =	simm.s32 @!p0 $0x1082;
	s9 =	sld [smem:$0x3FB7]  }
0x2f: {  	lr =	sadd.s32 s0, s3;
	s0 =	sld [smem:$0x3FAE]  }
0x30: {  	s3 =	sld [smem:$0x3FB1]  }
0x31: {  	[smem:$0x3FBA] =	sst s10  }
0x32: {  	s10 =	sld [smem:$0x3FB8];
	_ =	sdelay $0x3  }
0x33: {  	p0 =	seq.s32 s10, $0x1;
	s10 =	sld [smem:$0x3FBA];
	_ =	sdelay $0x3  }
0x34: {  	[smem:$0x3FBA] =	sst s10  }
0x35: {  	s10 =	sld [smem:$0x3FB9];
	_ =	sdelay $0x3  }
0x36: {  	p1 =	seq.s32 s10, $0x1;
	s10 =	sld [smem:$0x3FBA];
	_ =	sdelay $0x3  }
0x37: {  	[smem:$0x3FBA] =	sst s10  }
0x38: {  	s10 =	sld [smem:$0x3FBB]  }
0x39: {  	_ = 	snop;
	(pc) =	sbr.ind lr, $3  }
0x3a: {  	_ = 	snop  }
0x3b: {  	_ = 	snop  }
0x3c: {  	p2 =	seq.s32 s10, $0x1;
	s10 =	sld [smem:$0x3FBA]  }
0x3d: {  	_ =	shalt  }
0x3e: {  	_ =	shalt  }
0x3f: {  	_ =	shalt  }
0x40: {  	_ =	shalt  }
0x41: {  	_ =	shalt  }
0x42: {  	_ =	shalt  }
0x43: {  	_ =	shalt  }
0x44: {  	_ =	shalt  }
0x45: {  	_ =	shalt  }
0x46: {  	_ =	shalt  }
0x47: {  	_ =	shalt  }
0x48: {  	_ =	shalt  }
0x49: {  	_ =	shalt  }
0x4a: {  	_ =	shalt  }
0x4b: {  	_ =	shalt  }
0x4c: {  	_ =	shalt  }
0x4d: {  	_ =	shalt  }
0x4e: {  	_ =	shalt  }
0x4f: {  	_ =	shalt  }
0x50: {  	_ =	shalt  }
0x51: {  	_ =	shalt  }
0x52: {  	_ =	shalt  }
0x53: {  	_ =	shalt  }
0x54: {  	_ =	shalt  }
0x55: {  	_ =	shalt  }
0x56: {  	_ =	shalt  }
0x57: {  	_ =	shalt  }
0x58: {  	_ =	shalt  }
0x59: {  	_ =	shalt  }
0x5a: {  	_ =	shalt  }
0x5b: {  	_ =	shalt  }
0x5c: {  	_ =	shalt  }
0x5d: {  	_ =	shalt  }
0x5e: {  	_ =	shalt  }
0x5f: {  	_ =	shalt  }
0x60: {  	_ =	shalt  }
0x61: {  	_ =	shalt  }
0x62: {  	_ =	shalt  }
0x63: {  	_ =	shalt  }
0x64: {  	_ =	shalt  }
0x65: {  	_ =	shalt  }
0x66: {  	_ =	shalt  }
0x67: {  	_ =	shalt  }
0x68: {  	_ =	shalt  }
0x69: {  	_ =	shalt  }
0x6a: {  	_ =	shalt  }
0x6b: {  	_ =	shalt  }
0x6c: {  	_ =	shalt  }
0x6d: {  	_ =	shalt  }
0x6e: {  	_ =	shalt  }
0x6f: {  	_ =	shalt  }
0x70: {  	_ =	shalt  }
0x71: {  	_ =	shalt  }
0x72: {  	_ =	shalt  }
0x73: {  	_ =	shalt  }
0x74: {  	_ =	shalt  }
0x75: {  	_ =	shalt  }
0x76: {  	_ =	shalt  }
0x77: {  	_ =	shalt  }
0x78: {  	_ =	shalt  }
0x79: {  	_ =	shalt  }
0x7a: {  	_ =	shalt  }
0x7b: {  	_ =	shalt  }
0x7c: {  	_ =	shalt  }
0x7d: {  	_ =	shalt  }
0x7e: {  	_ =	shalt  }
0x7f: {  	_ =	shalt  }
0x80: {  	_ =	shalt  }
0x81: {  	_ =	shalt  }
0x82: {  	_ =	shalt  }
0x83: {  	_ =	shalt  }
0x84: {  	_ =	shalt  }
0x85: {  	_ =	shalt  }
0x86: {  	_ =	shalt  }
0x87: {  	_ =	shalt  }
.Lfunc_end0:
.L_simem_size_0:
called_computation_lowered:
.L_overlay_start_0:
0x88: {  	s2 =	sld [smem:$0x3FD9]  }
0x89: {  	s3 =	sld [smem:$0x3FFE];
	_ =	sdelay $0x1  }
0x8a: {  	s1 =	srdreg.scid  }
0x8b: {  	s0 =	sand.u32 $0x1, s1  }
0x8c: {  	s14 =	sshll.u32 s0, $0xA;
	s2 =	sadd.s32 s3, s2  }
0x8d: {  	s2 =	sadd.s32 s2, s14  }
0x8e: {  	[smem:$0x3FC6] =	sst s2  }
0x8f: {  	_ = 	snop  }
0x90: {  	s2 =	sld [smem:$0x3FD0];
	_ =	sdelay $0x2  }
0x91: {  	s15 =	simm.s32 $0xA;
	s4 =	simm.s32 $0x10  }
0x92: {  	[smem:s4], [sflag:s15] =	dma.local [hbm:s2], $0x1  }
0x93: {  	_ =	swait.eq [sflag:s15], $0x1  }
0x94: {  	[sflag:s15] =	ssyncset.done $0x0  }
0x95: {  	s16 =	sld [smem:$0x10];
	[sflag:s15] =	ssyncadd.s32 $0xFFFFFFFF  }
0x96: {  	s17 =	sld [smem:$0x11];
	(tm) =	ssettm $0x1  }
0x97: {  	s18 =	sld [smem:$0x3FFB];
	_ =	sdelay $0x3  }
0x98: {  	_ =	strace s18  }
0x99: {  	s4 =	sld [smem:$0x3FFC];
	_ =	sdelay $0x3  }
0x9a: {  	_ =	strace s4  }
0x9b: {  	s4 =	sld [smem:$0x3FFD];
	_ =	sdelay $0x3  }
0x9c: {  	_ =	strace s4  }
0x9d: {  	_ =	strace $0x8FFFFFFF  }
0x9e: {  	s19 =	sld [smem:$0x3FDB];
	_ =	sdelay $0x1  }
0x9f: {  	s5 =	simm.s32 $_scs_section_size  }
0xa0: {  	s6 =	simm.s32 $_size__tile_overlayer_lowered;
	s7 =	simm.s32 $_tile_overlayer_lowered  }
0xa1: {  	s22 =	simm.s32 $0x1BFF;
	s21 =	sshll.u32 s7, $0x1;
	s4 =	sadd.s32 s5, s19  }
0xa2: {  	s8 =	simm.s32 $0x0;
	s20 =	sshll.u32 s6, $0x1;
	s6 =	sadd.s32 s21, s4  }
0xa3: {  	[timem:s8], [sflag:s22] =	dma.local [hbm:s6], s20  }
0xa4: {  	_ =	swait.ge [sflag:s22], s20  }
0xa5: {  	s5 =	ssub.s32 $0x0, s20;
	[sflag:s22] =	ssyncset.done $0x0  }
0xa6: {  	[sflag:s22] =	ssyncadd.s32 s5;
	_ =	sdelay $0x1  }
0xa7: {  	s23 =	simm.s32 $0x1B8B  }
0xa8: {  	_ =	swait.ge [sflag:s23], $0x1  }
0xa9: {  	[sflag:s23] =	ssyncset.done $0x0  }
0xaa: {  	s25 =	simm.s32 $0x1B8E;
	s24 =	sld [smem:$0x3FFE];
	[sflag:s23] =	ssyncadd.s32 $0xFFFFFFFF  }
0xab: {  	s26 =	simm.s32 $execute0_lowered;
	[smem:$0x3FD2] =	sst s25  }
0xac: {  	s6 =	sshll.u32 s26, $0x1;
	_ =	strace $0x80000046;
	[dreg:$0x1] =	wrdreg $0xFFFFFFFF  }
0xad: {  	s28 =	simm.s32 $_size_execute0_lowered;
	s4 =	sadd.s32 s4, s6;
	[dreg:$0x0] =	wrdreg $0x0  }
0xae: {  	s6 =	sshll.u32 s28, $0x1;
	[dreg:$0x2] =	wrdreg s4  }
0xaf: {  	[dreg:$0x3] =	wrdreg s6  }
0xb0: {  	[dreg:$0x4] =	wrdreg $0xC0  }
0xb1: {  	_ =	task [dreg:s8], $0x5FFFF  }
0xb2: {  	[dreg:$0x1] =	wrdreg $0xFFFFFFFF  }
0xb3: {  	[dreg:$0x0] =	wrdreg $0x60  }
0xb4: {  	[dreg:$0x2] =	wrdreg s24  }
0xb5: {  	[dreg:$0x3] =	wrdreg s16  }
0xb6: {  	[dreg:$0x4] =	wrdreg s17  }
0xb7: {  	[dreg:$0x5] =	wrdreg $0x9  }
0xb8: {  	_ =	task.clear_ibuf [dreg:s8], $0x6FFFF;
	_ =	strace $0x90000046  }
0xb9: {  	s29 =	simm.s32 $0x9;
	_ =	strace $0x80000051  }
0xba: {  	_ =	swait.ge [sflag:s29], $0x1  }
0xbb: {  	[sflag:s29] =	ssyncadd.s32 $0xFFFFFFFF  }
0xbc: {  	_ =	strace $0x90000051  }
0xbd: {  	_ =	sfence  }
0xbe: {  	s30 =	sld [smem:$0x0];
	_ =	sdelay $0x2  }
0xbf: {  	s31 =	sshll.u32 s1, $0xD;
	s1 =	sshrl.u32 s1, $0x2  }
0xc0: {  	s3 =	sand.u32 $0x4000, s31;
	s1 =	sadd.s32 s1, s30  }
0xc1: {  	s0 =	sor.u32 s3, s0;
	s1 =	sshll.u32 s1, $0x11  }
0xc2: {  	s0 =	sor.u32 s1, s0  }
0xc3: {  	s0 =	sadd.s32 $0x8F2B, s0  }
0xc4: {  	[sflag:s0] =	ssyncadd.remote.s32 $0x1  }
0xc5: {  	_ =	sfence.sel $0xFFFF  }
0xc6: {  	[dreg:$0x0] =	wrdreg $0xFFFFFFFF;
	(pc) =	sbr.abs _section_cstart, $3  }
0xc7: {  	[dreg:$0x1] =	wrdreg $0xFFFFFFFF  }
0xc8: {  	_ =	task.clear_ibuf [dreg:s8], $0x2FFFF;
	_ =	strace $0x9FFFFFFF  }
0xc9: {  	(tm) =	ssettm $0x7FFFFFFF  }
tec
execute0_lowered:
.L_overlay_start_1:
0x0: {  	(tag) =	ssettag $0x1  }
0x1: {  	s5 =	rddreg [dreg:$0x0]  }
0x2: {  	s1 =	rddreg [dreg:$0x1]  }
0x3: {  	s2 =	rddreg [dreg:$0x2]  }
0x4: {  	s0 =	rddreg [dreg:$0x3];
	s3 =	simm.s32 $0x0;
	s4 =	srdreg.scid  }
0x5: {  	[smem:$0x7FF] =	sst s3;
	s6 =	sand.u32 $0x1, s4;
	s4 =	stileid.u32  }
0x6: {  	s5 =	sadd.s32 $0xC00, s5;
	s7 =	ssub.s32 $0x2, s6;
	s6 =	sshll.u32 s6, $0x4  }
0x7: {  	_ =	strace $0x80000047;
	s8 =	sshrl.u32 s7, $0x1;
	s9 =	sor.u32 s4, s6  }
0x8: {  	s8 =	ssub.s32 s7, s8;
	s6 =	sshll.u32 s9, $0x3;
	s31 =	sshll.u32 s9, $0xA  }
0x9: {  	v0 =	vimm.s32 $0x0;
	s9 =	simm.s32 $0x0;
	s7 =	sadd.s32 s5, s31;
	s8 =	smax.u32 s8, $0x1  }
.LBB2_1:
0xa: {  	_ =	strace $0x80000048  }
0xb: {  	s11 =	simm.s32 $0x0;
	s10 =	simm.s32 $0x0;
	s12 =	simm.s32 $0x0  }
0xc: {  	s22 =	simm.s32 $0x0;
	s13 =	simm.s32 $0x0;
	s14 =	simm.s32 $0x0  }
0xd: {  	[tilespmem:s3], [sflag:$0x1] =	stream.linear.gather [hbm4b:s7+s3], $0x400, $0x200038;
	[tilespmem:$0xC00] =	vst v63  }
0xe: {  	s15 =	simm.s32 $0x1;
	s16 =	simm.s32 $0x0;
	_ =	strace $0x90000048  }
.LBB2_2:
0xf: {  	s17 =	smov.u32 s11;
	s11 =	sadd.s32 $0x1, s11  }
0x10: {  	p0 =	seq.s32 s11, $0x8  }
0x11: {  	s11 =	simm.s32 @p0 $0x0  }
0x12: {  	p1 =	sne.s32 s16, $0x7;
	p0 =	sne.s32 s17, s11  }
0x13: {  	p0 =	por !p1, !p0  }
0x14: {  	p0 =	por !p0, !p0  }
0x15: {  	s18 =	sadd.s32 @p0 s6, s11  }
0x16: {  	s29 =	sshll.u32 s14, $0xA;
	_ =	strace @p0 $0x80000049;
	s18 =	sshll.u32 @p0 s18, $0x7  }
0x17: {  	s19 =	sand.u32 @p0 $0x1, s15;
	s21 =	simm.s32 @p0 $0x0;
	s18 =	sand.u32 @p0 $0x1FFFFF80, s18  }
0x18: {  	s20 =	sshll.u32 @p0 s19, $0xA;
	s19 =	sadd.s32 @p0 $0x1, s19;
	s18 =	sadd.s32 @p0 s5, s18  }
0x19: {  	[tilespmem:s20], [sflag:s19] =	stream.linear.gather @p0 [hbm4b:s18+s21], $0x400, $0x200038;
	[tilespmem:$0xC00] =	vst v63  }
0x1a: {  	s30 =	sand.u32 $0x1, s14;
	s18 =	sand.u32 $0x400, s29;
	_ =	strace @p0 $0x90000049  }
0x1b: {  	s19 =	sadd.s32 $0x1, s30;
	s18 =	sor.u32 $0x200, s18;
	_ =	strace $0x8000004A  }
0x1c: {  	v1 =	vmov s18;
	_ =	swait.ge [sflag:s19], $0x400  }
0x1d: {  	[sflag:s19] =	ssyncset.done $0x0  }
0x1e: {  	[sflag:s19] =	ssyncadd.s32 $0xFFFFFC00  }
0x1f: {  	_ =	strace $0x9000004A  }
0x20: {  	s18 =	simm.s32 $0x0;
	_ =	strace $0x8000004B  }
0x21: {  	v2 =	vld.idx.msk [tilespmem:v1+s18+$0xFFFFFE00 ss:$0x1], $0xffff  }
0x22: {  	v3 =	vld.idx.msk [tilespmem:v1+s18+$0xFFFFFE80 ss:$0x1], $0xffff;
	_ =	sdelay $0x1  }
0x23: {  	v5 =	vld.idx.msk [tilespmem:v1+s18+$0xFFFFFF00 ss:$0x1], $0xffff;
	_ =	sdelay $0x1  }
0x24: {  	v6 =	vld.idx.msk [tilespmem:v1+s18+$0xFFFFFF80 ss:$0x1], $0xffff  }
0x25: {  	vm0 =	vgt.f32 v3, v2  }
0x26: {  	v7 =	vld.idx.msk [tilespmem:v1+s18+$0x0 ss:$0x1], $0xffff;
	v4 =	vsel vm0, v3, v2  }
0x27: {  	vm1 =	vgt.f32 v5, v4  }
0x28: {  	v8 =	vld.idx.msk [tilespmem:v1+s18+$0x80 ss:$0x1], $0xffff;
	v4 =	vsel vm1, v5, v4  }
0x29: {  	vm2 =	vgt.f32 v6, v4  }
0x2a: {  	v9 =	vld.idx.msk [tilespmem:v1+s18+$0x100 ss:$0x1], $0xffff;
	v4 =	vsel vm2, v6, v4  }
0x2b: {  	vm3 =	vgt.f32 v7, v4  }
0x2c: {  	v10 =	vld.idx.msk [tilespmem:v1+s18+$0x180 ss:$0x1], $0xffff;
	v4 =	vsel vm3, v7, v4  }
0x2d: {  	v11 =	vsel vm0, $0x1, v0;
	vm13 =	vgt.f32 v8, v4  }
0x2e: {  	v11 =	vsel vm1, $0x2, v11;
	v4 =	vsel vm13, v8, v4  }
0x2f: {  	v11 =	vsel vm2, $0x3, v11;
	vm14 =	vgt.f32 v9, v4  }
0x30: {  	v11 =	vsel vm3, $0x4, v11;
	v12 =	vsel vm14, v9, v4  }
0x31: {  	v4 =	vsel vm13, $0x5, v11;
	vm15 =	vgt.f32 v10, v12  }
0x32: {  	v4 =	vsel vm14, $0x6, v4;
	vm0 =	vmneg vm15  }
0x33: {  	v4 =	vnsel vm0, $0x7, v4  }
0x34: {  	vm4 =	vgt.f32 v2, $-1.000000000e+00;
	vm5 =	vne.s32 v4, $0x0  }
0x35: {  	vm1 =	vmand vm4, vm5  }
0x36: {  	v2 =	vnsel vm1, $0xBF800000, v2  }
0x37: {  	vm6 =	vne.s32 v4, $0x1;
	vm7 =	vgt.f32 v3, v2  }
0x38: {  	vm1 =	vmand vm6, vm7  }
0x39: {  	v2 =	vsel vm1, v3, v2  }
0x3a: {  	vm8 =	vne.s32 v4, $0x2;
	vm9 =	vgt.f32 v5, v2  }
0x3b: {  	vm2 =	vmand vm8, vm9  }
0x3c: {  	v2 =	vsel vm2, v5, v2  }
0x3d: {  	vm10 =	vne.s32 v4, $0x3;
	vm4 =	vgt.f32 v6, v2  }
0x3e: {  	vm3 =	vmand vm10, vm4  }
0x3f: {  	v2 =	vsel vm3, v6, v2  }
0x40: {  	vm11 =	vne.s32 v4, $0x4;
	vm5 =	vgt.f32 v7, v2  }
0x41: {  	vm4 =	vmand vm11, vm5  }
0x42: {  	v3 =	vsel vm4, v7, v2  }
0x43: {  	s20 =	sand.u32 $0x1, s13;
	vm12 =	vne.s32 v4, $0x5;
	vm6 =	vgt.f32 v8, v3  }
0x44: {  	s24 =	sshll.u32 s20, $0x8;
	vm5 =	vmand vm12, vm6  }
0x45: {  	s31 =	sor.u32 $0x880, s24;
	v3 =	vsel vm5, v8, v3  }
0x46: {  	vm13 =	vne.s32 v4, $0x6;
	v2 =	vmov s31;
	vm14 =	vgt.f32 v9, v3  }
0x47: {  	v5 =	vsel vm1, $0x1, v0;
	vm1 =	vmand vm13, vm14  }
0x48: {  	s21 =	sand.u32 $0x1, s12;
	v3 =	vsel vm1, v9, v3  }
0x49: {  	s25 =	sshll.u32 s21, $0x8;
	vm15 =	vgt.f32 v10, v3  }
0x4a: {  	s26 =	sor.u32 $0xA80, s25;
	v5 =	vsel vm2, $0x2, v5;
	v6 =	vsel vm0, v12, v10;
	vm0 =	vmand vm0, vm15  }
0x4b: {  	v5 =	vsel vm3, $0x3, v5;
	[tilespmem:v2+s18+$0xFFFFFF80 ss:$0x1] =	vst.idx.msk $0xffff, v6;
	v6 =	vsel vm0, v10, v3;
	v3 =	vmov s26  }
0x4c: {  	v5 =	vsel vm4, $0x4, v5  }
0x4d: {  	v5 =	vsel vm5, $0x5, v5  }
0x4e: {  	s23 =	sadd.s32 s6, s17;
	s24 =	sor.u32 $0x800, s24;
	v5 =	vsel vm1, $0x6, v5  }
0x4f: {  	s19 =	smov.u32 s22;
	s22 =	sor.u32 $0xA00, s25;
	s25 =	simm.s32 $0x40;
	v5 =	vsel vm0, $0x7, v5;
	[tilespmem:v2+s18+$0x0 ss:$0x1] =	vst.idx.msk $0xffff, v6  }
.LBB2_3:
0x50: {  	p1 =	sne.s32 s25, $0x1C0;
	[tilespmem:v3+s18+$0xFFFFFF80 ss:$0x1] =	vst.idx.msk $0xffff, v4;
	s26 =	smov.u32 s25;
	s25 =	sadd.s32 $0x40, s25  }
0x51: {  	[tilespmem:v3+s18+$0x0 ss:$0x1] =	vst.idx.msk $0xffff, v5;
	s18 =	sshra.s32 s26, $0x2  }
0x52: {  	v5 =	vld.idx.msk [tilespmem:v1+s18+$0xFFFFFE00 ss:$0x1], $0xffff  }
0x53: {  	v6 =	vld.idx.msk [tilespmem:v1+s18+$0xFFFFFE80 ss:$0x1], $0xffff  }
0x54: {  	v7 =	vld.idx.msk [tilespmem:v1+s18+$0xFFFFFF00 ss:$0x1], $0xffff;
	_ =	sdelay $0x1  }
0x55: {  	v8 =	vld.idx.msk [tilespmem:v1+s18+$0xFFFFFF80 ss:$0x1], $0xffff;
	_ =	sdelay $0x1  }
0x56: {  	v9 =	vld.idx.msk [tilespmem:v1+s18+$0x0 ss:$0x1], $0xffff  }
0x57: {  	vm0 =	vgt.f32 v6, v5  }
0x58: {  	v4 =	vsel vm0, v6, v5;
	v10 =	vld.idx.msk [tilespmem:v1+s18+$0x80 ss:$0x1], $0xffff  }
0x59: {  	vm1 =	vgt.f32 v7, v4  }
0x5a: {  	v4 =	vsel vm1, v7, v4;
	v11 =	vld.idx.msk [tilespmem:v1+s18+$0x100 ss:$0x1], $0xffff  }
0x5b: {  	vm2 =	vgt.f32 v8, v4  }
0x5c: {  	v4 =	vsel vm2, v8, v4;
	v12 =	vld.idx.msk [tilespmem:v1+s18+$0x180 ss:$0x1], $0xffff  }
0x5d: {  	vm3 =	vgt.f32 v9, v4  }
0x5e: {  	v13 =	vsel vm0, $0x1, v0;
	v4 =	vsel vm3, v9, v4  }
0x5f: {  	v13 =	vsel vm1, $0x2, v13;
	vm0 =	vgt.f32 v10, v4  }
0x60: {  	v13 =	vsel vm2, $0x3, v13;
	v4 =	vsel vm0, v10, v4  }
0x61: {  	v13 =	vsel vm3, $0x4, v13;
	vm1 =	vgt.f32 v11, v4  }
0x62: {  	v13 =	vsel vm0, $0x5, v13;
	v14 =	vsel vm1, v11, v4  }
0x63: {  	v4 =	vsel vm1, $0x6, v13;
	vm0 =	vgt.f32 v12, v14  }
0x64: {  	vm0 =	vmneg vm0  }
0x65: {  	vm1 =	vgt.f32 v5, $-1.000000000e+00;
	v4 =	vnsel vm0, $0x7, v4;
	v13 =	vsel vm0, v14, v12  }
0x66: {  	vm2 =	vne.s32 v4, $0x0;
	[tilespmem:v2+s18+$0xFFFFFF80 ss:$0x1] =	vst.idx.msk $0xffff, v13  }
0x67: {  	vm1 =	vmand vm1, vm2  }
0x68: {  	v5 =	vnsel vm1, $0xBF800000, v5;
	vm1 =	vne.s32 v4, $0x1  }
0x69: {  	vm2 =	vgt.f32 v6, v5  }
0x6a: {  	vm1 =	vmand vm1, vm2  }
0x6b: {  	vm2 =	vne.s32 v4, $0x2;
	v5 =	vsel vm1, v6, v5  }
0x6c: {  	vm3 =	vgt.f32 v7, v5  }
0x6d: {  	vm2 =	vmand vm2, vm3  }
0x6e: {  	vm3 =	vne.s32 v4, $0x3;
	v5 =	vsel vm2, v7, v5  }
0x6f: {  	vm4 =	vgt.f32 v8, v5  }
0x70: {  	vm3 =	vmand vm3, vm4  }
0x71: {  	vm4 =	vne.s32 v4, $0x4;
	v5 =	vsel vm3, v8, v5  }
0x72: {  	vm5 =	vgt.f32 v9, v5  }
0x73: {  	vm4 =	vmand vm4, vm5  }
0x74: {  	vm5 =	vne.s32 v4, $0x5;
	v5 =	vsel vm4, v9, v5  }
0x75: {  	vm6 =	vgt.f32 v10, v5  }
0x76: {  	vm5 =	vmand vm5, vm6  }
0x77: {  	vm6 =	vne.s32 v4, $0x6;
	v5 =	vsel vm5, v10, v5  }
0x78: {  	v6 =	vsel vm1, $0x1, v0;
	vm1 =	vgt.f32 v11, v5  }
0x79: {  	v6 =	vsel vm2, $0x2, v6;
	vm1 =	vmand vm6, vm1  }
.Ltmp0:
0x7a: {  	v6 =	vsel vm3, $0x3, v6;
	v5 =	vsel vm1, v11, v5;
	(pc) =	sbr.rel @p1 .LBB2_3-.Ltmp0, $4  }
0x7b: {  	v6 =	vsel vm4, $0x4, v6;
	vm2 =	vgt.f32 v12, v5  }
0x7c: {  	v6 =	vsel vm5, $0x5, v6;
	vm0 =	vmand vm0, vm2  }
0x7d: {  	v6 =	vsel vm1, $0x6, v6;
	v7 =	vsel vm0, v12, v5  }
0x7e: {  	v5 =	vsel vm0, $0x7, v6;
	[tilespmem:v2+s18+$0x0 ss:$0x1] =	vst.idx.msk $0xffff, v7  }
0x7f: {  	_ =	sdelay $0x1  }
0x80: {  	p1 =	seq.s32 s16, $0x7  }
0x81: {  	p2 =	seq.s32 @!p1 s17, s11  }
0x82: {  	[tilespmem:v3+s18+$0xFFFFFF80 ss:$0x1] =	vst.idx.msk $0xffff, v4;
	s17 =	simm.s32 $0x0;
	p1 =	por p1, !p2  }
0x83: {  	[tilespmem:v3+s18+$0x0 ss:$0x1] =	vst.idx.msk $0xffff, v5;
	s17 =	sshll.u32 @p1 s23, $0x5  }
0x84: {  	_ =	strace $0x9000004B;
	s17 =	sand.u32 @p1 $0x1FFFFFE0, s17  }
0x85: {  	_ =	strace @p1 $0x8000004C;
	s18 =	sadd.s32 @p1 $0x3, s20;
	s20 =	sadd.s32 @p1 s1, s17  }
0x86: {  	[hbm4b:s20+s3] =	stream.linear.scatter @p1 [tilespmem:s24], [sflag:s18], $0x100, $0x200038;
	[tilespmem:$0xC00] =	vst v63  }
0x87: {  	s13 =	sadd.s32 @p1 $0x1, s13;
	_ =	strace @p1 $0x9000004C  }
0x88: {  	s17 =	sadd.s32 @p1 s2, s17;
	s18 =	sadd.s32 @p1 $0x5, s21;
	_ =	strace @p1 $0x8000004D  }
0x89: {  	[hbm4b:s17+s3] =	stream.linear.scatter @p1 [tilespmem:s22], [sflag:s18], $0x100, $0x200038;
	[tilespmem:$0xC00] =	vst v63  }
0x8a: {  	s17 =	simm.s32 @p1 $0x1;
	_ =	strace @p1 $0x9000004D;
	p1 =	seq.s32 s16, $0x0  }
0x8b: {  	s18 =	sand.u32 @!p1 $0x1, s19  }
0x8c: {  	_ =	strace @!p1 $0x8000004E;
	s18 =	sadd.s32 @!p1 $0x3, s18  }
0x8d: {  	_ =	swait.ge @!p1 [sflag:s18], $0x100  }
0x8e: {  	s20 =	simm.s32 $0x1;
	[sflag:s18] =	ssyncset.done @!p1 $0x0  }
0x8f: {  	s20 =	simm.s32 @!p0 $0x0;
	[sflag:s18] =	ssyncadd.s32 @!p1 $0xFFFFFF00  }
0x90: {  	s16 =	sadd.s32 $0x1, s16;
	s18 =	sand.u32 @!p1 $0x1, s10;
	_ =	strace @!p1 $0x9000004E  }
0x91: {  	p0 =	sne.s32 s16, $0x8;
	s18 =	sadd.s32 @!p1 $0x5, s18;
	_ =	strace @!p1 $0x8000004F  }
.Ltmp1:
0x92: {  	_ =	swait.ge @!p1 [sflag:s18], $0x100;
	(pc) =	sbr.rel @p0 .LBB2_2-.Ltmp1, $4  }
0x93: {  	s15 =	sadd.s32 s20, s15;
	[sflag:s18] =	ssyncset.done @!p1 $0x0  }
0x94: {  	s12 =	sadd.s32 s12, s17;
	[sflag:s18] =	ssyncadd.s32 @!p1 $0xFFFFFF00;
	s18 =	simm.s32 @!p1 $0x1  }
0x95: {  	s14 =	sadd.s32 s14, s17;
	s22 =	sadd.s32 @!p1 $0x1, s19;
	s18 =	simm.s32 @p1 $0x0  }
0x96: {  	s22 =	smov.u32 @p1 s19;
	_ =	strace @!p1 $0x9000004F;
	s10 =	sadd.s32 s10, s18  }
0x97: {  	s11 =	sand.u32 $0x1, s22  }
0x98: {  	_ =	strace $0x80000050;
	s11 =	sadd.s32 $0x3, s11  }
0x99: {  	s9 =	sadd.s32 $0x1, s9;
	_ =	swait.ge [sflag:s11], $0x100  }
0x9a: {  	s10 =	sand.u32 $0x1, s10;
	p0 =	sne.s32 s9, s8;
	[sflag:s11] =	ssyncset.done $0x0  }
.Ltmp2:
0x9b: {  	s10 =	sadd.s32 $0x5, s10;
	[sflag:s11] =	ssyncadd.s32 $0xFFFFFF00;
	(pc) =	sbr.rel @p0 .LBB2_1-.Ltmp2, $4  }
0x9c: {  	_ =	swait.ge [sflag:s10], $0x100  }
0x9d: {  	[sflag:s10] =	ssyncset.done $0x0  }
0x9e: {  	[sflag:s10] =	ssyncadd.s32 $0xFFFFFF00  }
0x9f: {  	_ =	strace $0x90000050  }
0xa0: {  	_ =	sfence.sel $0x180000  }
0xa1: {  	[bflag:$0x0] =	sbarrier.arrive $0xFFFF  }
0xa2: {  	p0 =	sne.s32 s4, $0x0;
	_ =	strace $0x90000047  }
0xa3: {  	s0 =	sadd.s32 @!p0 $0x100000, s0;
	[bflag:$0x2] =	sbarrier.arrive $0xFFFF  }
0xa4: {  	[sflag:s0] =	ssyncadd.tile.s32 @!p0 $0x1;
	_ =	shalt  }
.Lfunc_end2:
_tile_overlayer_lowered:
.L_overlay_start_2:
0xa5: {  	(tag) =	ssettag $0x2  }
0xa6: {  	s0 =	rddreg [dreg:$0x0];
	s2 =	stileid.u32  }
0xa7: {  	s1 =	rddreg [dreg:$0x1];
	p0 =	sne.s32 s2, $0x0  }
0xa8: {  	s3 =	rddreg [dreg:$0x2];
	[bflag:$0x3] =	sbarrier.arrive $0xFFFF;
	s2 =	simm.s32 @!p0 $0x1C01  }
0xa9: {  	[timem:s3], [sflag:s2] =	dma.local @!p0 [hbm:s0], s1  }
0xaa: {  	s0 =	simm.s32 @!p0 $0x1  }
0xab: {  	_ =	swait.ge @!p0 [sflag:s0], s1  }
0xac: {  	s1 =	ssub.s32 @!p0 $0x0, s1;
	[sflag:s0] =	ssyncset.done @!p0 $0x0  }
0xad: {  	[sflag:s0] =	ssyncadd.s32 @!p0 s1  }
0xae: {  	[bflag:$0x3] =	sbarrier.arrive $0xFFFF  }
0xaf: {  	_ =	shalt  }

</sc_bundles>
